<compile_context>
chip_gen: v7x
topology: tpu7x:2x2x1
jax: 0.10.2.dev20260603
libtpu: 0.0.44.dev20260713+nightly
codegen_flags: <defaults>
</compile_context>

<pallas_src>
import functools

import jax
import jax.numpy as jnp
from jax import lax
from jax.experimental import pallas as pl
from jax.experimental.pallas import tpu as pltpu
from jax.experimental.pallas import tpu_sc as plsc

_B, _T, _N, _DIN, _H = 16, 12, 2048, 3, 32
_BT = _B * _T
_C = 4 * _H
_LANES = 16
_RPW = 8


def _sc_emb_rows(idx2, tab):
    info = plsc.get_sparse_core_info()
    nc = info.num_cores
    n_active = _BT // _RPW

    def body(idx2_hbm, tab_hbm, out_hbm, idxd_v, idxw_v, day_v, week_v,
             comb_v, sem_d, sem_w):
        wid = lax.axis_index("s") * nc + lax.axis_index("c")

        @pl.when(wid < n_active)
        def _():
            base = wid * _RPW
            pltpu.sync_copy(idx2_hbm.at[pl.ds(base, _RPW)], idxd_v)
            pltpu.sync_copy(idx2_hbm.at[pl.ds(_BT + base, _RPW)], idxw_v)
            pltpu.async_copy(tab_hbm.at[idxd_v], day_v, sem_d).wait()
            pltpu.async_copy(tab_hbm.at[idxw_v], week_v, sem_w).wait()
            for r in range(_RPW):
                for c in range(_C // _LANES):
                    sl = pl.ds(c * _LANES, _LANES)
                    comb_v[r, sl] = day_v[r, sl] + week_v[r, sl]
            pltpu.sync_copy(comb_v, out_hbm.at[pl.ds(base, _RPW)])

    fn = functools.partial(
        pl.kernel,
        mesh=plsc.VectorSubcoreMesh(core_axis_name="c", subcore_axis_name="s"),
        out_type=jax.ShapeDtypeStruct((_BT, _C), jnp.float32),
        scratch_types=[
            pltpu.VMEM((_RPW,), jnp.int32),
            pltpu.VMEM((_RPW,), jnp.int32),
            pltpu.VMEM((_RPW, _C), jnp.float32),
            pltpu.VMEM((_RPW, _C), jnp.float32),
            pltpu.VMEM((_RPW, _C), jnp.float32),
            pltpu.SemaphoreType.DMA,
            pltpu.SemaphoreType.DMA,
        ],
    )(body)
    return fn(idx2, tab)


_G = 16


def _tc_body(x_ref, w_ref, b_ref, bc_ref, o_ref):
    for g in range(_G):
        xt = x_ref[g]
        h = lax.dot_general(xt, w_ref[...], (((0,), (0,)), ((), ())),
                            preferred_element_type=jnp.float32)
        v = h + b_ref[g] + bc_ref[0]
        lane = lax.broadcasted_iota(jnp.int32, v.shape, 1)
        o_ref[g] = jnp.where(lane >= 3 * _H, jnp.maximum(v, 0.0), v)


def _tc_fused(xt, w_cat, bias3, b_cat):
    return pl.pallas_call(
        _tc_body,
        grid=(_BT // _G,),
        in_specs=[
            pl.BlockSpec((_G, _DIN, _N), lambda i: (i, 0, 0)),
            pl.BlockSpec((_DIN, _C), lambda i: (0, 0)),
            pl.BlockSpec((_G, 1, _C), lambda i: (i, 0, 0)),
            pl.BlockSpec((1, _C), lambda i: (0, 0)),
        ],
        out_specs=pl.BlockSpec((_G, _N, _C), lambda i: (i, 0, 0)),
        out_shape=jax.ShapeDtypeStruct((_BT, _N, _C), jnp.float32),
    )(xt, w_cat, bias3, b_cat)


def kernel(x, t_day, t_week, W_tok, b_tok, day_table, week_table, W_sp, b_sp):
    idx2 = jnp.concatenate([t_day.reshape(-1).astype(jnp.int32),
                            t_week.reshape(-1).astype(jnp.int32) + 288])
    tab = (jnp.zeros((296, _C), jnp.float32)
           .at[:288, _H : 2 * _H].set(day_table)
           .at[288:295, 2 * _H : 3 * _H].set(week_table))
    emb = _sc_emb_rows(idx2, tab)
    bias3 = emb.reshape(_BT, 1, _C)
    w_cat = (jnp.zeros((_DIN, _C), jnp.float32)
             .at[:, : _H].set(W_tok.T)
             .at[:, 3 * _H :].set(W_sp.T))
    b_cat = jnp.concatenate(
        [b_tok, jnp.zeros((2 * _H,), jnp.float32), b_sp]).reshape(1, _C)
    xt = jnp.swapaxes(x.reshape(_BT, _N, _DIN), 1, 2)
    out = _tc_fused(xt, w_cat, bias3, b_cat)
    return out.reshape(_B, _T, _N, _C)

# --- scband reference (transcript-rebuilt; emitter-appended) ---
"""Pipeline reference for scband-spatio-temporal-embedding-15822659519007 (READ-ONLY COPY).

The authoritative reference and input builder live on the scoring server;
editing this copy changes nothing except your own understanding.
"""

import jax, jax.numpy as jnp
import numpy as np

B, T, N, D_IN, H = 16, 12, 2048, 3, 32
TOD, DOW = 288, 7


def setup_inputs(seed: int = 0) -> dict:
    key = jax.random.key(seed)
    k1, k2, k3, k4, k5, k6, k7 = jax.random.split(key, 7)
    x = jax.random.normal(k1, (B, T, N, D_IN), dtype=jnp.float32)
    t_day = jax.random.randint(k2, (B, T, 1), 0, TOD)
    t_week = jax.random.randint(k3, (B, T, 1), 0, DOW)
    W_tok = jax.random.normal(k4, (H, D_IN), dtype=jnp.float32) * 0.1
    b_tok = jnp.zeros((H,), dtype=jnp.float32)
    day_table = jax.random.normal(k5, (TOD, H), dtype=jnp.float32) * 0.02
    week_table = jax.random.normal(k6, (DOW, H), dtype=jnp.float32) * 0.02
    W_sp = jax.random.normal(k7, (H, D_IN), dtype=jnp.float32) * 0.1
    b_sp = jnp.zeros((H,), dtype=jnp.float32)
    return {"x": x, "t_day": t_day, "t_week": t_week, "W_tok": W_tok,
            "b_tok": b_tok, "day_table": day_table, "week_table": week_table,
            "W_sp": W_sp, "b_sp": b_sp}


def reference(x, t_day, t_week, W_tok, b_tok, day_table, week_table, W_sp, b_sp):
    batch, time, nodes, _ = x.shape
    # token_emb: Conv2d 1x1 over channel dim == pointwise linear
    h_data = jnp.einsum('btni,hi->btnh', x, W_tok) + b_tok
    # day embedding lookup, broadcast over nodes
    h_day = jnp.take(day_table, jnp.squeeze(t_day, axis=-1), axis=0)  # (B, T, H)
    h_day = jnp.broadcast_to(h_day[:, :, None, :], (batch, time, nodes, h_day.shape[-1]))
    # week embedding lookup, broadcast over nodes
    h_week = jnp.take(week_table, jnp.squeeze(t_week, axis=-1), axis=0)  # (B, T, H)
    h_week = jnp.broadcast_to(h_week[:, :, None, :], (batch, time, nodes, h_week.shape[-1]))
    # spatial linear + relu
    h_spatial = jnp.einsum('btni,hi->btnh', x, W_sp) + b_sp
    h_spatial = jax.nn.relu(h_spatial)
    hidden = jnp.concatenate([h_data, h_day, h_week, h_spatial], axis=-1)
    return hidden

if __name__ == "__main__":
    import jax
    _d = setup_inputs()
    print(jax.jit(kernel)(*tuple(_d.values())))

</pallas_src>

<mosaic_0001>
#map = affine_map<(d0, d1) -> (0)>
#map1 = affine_map<(d0, d1) -> (0, 0)>
module attributes {stable_mosaic.version = 14 : i64} {
  func.func @body(%arg0: i32, %arg1: i32, %arg2: memref<384xi32, #tpu.memory_space<hbm>>, %arg3: memref<296x128xf32, #tpu.memory_space<hbm>>, %arg4: memref<192x128xf32, #tpu.memory_space<hbm>>, %arg5: memref<8xi32, #tpu.memory_space<vmem>>, %arg6: memref<8xi32, #tpu.memory_space<vmem>>, %arg7: memref<8x128xf32, #tpu.memory_space<vmem>>, %arg8: memref<8x128xf32, #tpu.memory_space<vmem>>, %arg9: memref<8x128xf32, #tpu.memory_space<vmem>>, %arg10: memref<!tpu.dma_semaphore, #tpu.memory_space<semaphore_mem>>, %arg11: memref<!tpu.dma_semaphore, #tpu.memory_space<semaphore_mem>>) attributes {dimension_semantics = [#tpu.dimension_semantics<core_parallel>, #tpu.dimension_semantics<subcore_parallel>], iteration_bounds = array<i64: 2, 16>, scalar_prefetch = 0 : i64, scratch_operands = 7 : i64, tpu.core_type = #tpu.core_type<sc_vector_subcore>, window_params = [{transform_indices = #map}, {transform_indices = #map1}, {transform_indices = #map1}]} {
    %mul3A = arith.constant 2 : i32
    %mul3A_0 = arith.muli %arg1, %mul3A : i32
    %add3A = arith.addi %mul3A_0, %arg0 : i32
    %lt3A = arith.constant 24 : i32
    %lt3A_1 = arith.cmpi slt, %add3A, %lt3A : i32
    %convert_element_type3A = arith.extui %lt3A_1 : i1 to i32
    %cond3A = arith.constant 0 : i32
    %cond3A_2 = arith.cmpi ne, %convert_element_type3A, %cond3A : i32
    scf.if %cond3A_2 {
      %mul3A_3 = arith.constant 8 : i32
      %mul3A_4 = arith.muli %add3A, %mul3A_3 : i32
      "tpu.region"() ({
        %run_scoped3A = tpu.sem_alloc : memref<!tpu.dma_semaphore, #tpu.memory_space<semaphore_mem>>
        %dma_start3A_1103 = tpu.memref_slice %arg2[%mul3A_4] : memref<384xi32, #tpu.memory_space<hbm>> -> memref<8xi32, #tpu.memory_space<hbm>>
        %dma_start3A_1104 = tpu.memref_slice %arg2[%mul3A_4] : memref<384xi32, #tpu.memory_space<hbm>> -> memref<8xi32, #tpu.memory_space<hbm>>
        tpu.enqueue_dma source(%dma_start3A_1104 : memref<8xi32, #tpu.memory_space<hbm>>) target(%arg5 : memref<8xi32, #tpu.memory_space<vmem>>) target_semaphore(%run_scoped3A : memref<!tpu.dma_semaphore, #tpu.memory_space<semaphore_mem>>)
        %dma_wait3A_1105 = tpu.memref_slice %arg2[%mul3A_4] : memref<384xi32, #tpu.memory_space<hbm>> -> memref<8xi32, #tpu.memory_space<hbm>>
        %dma_wait3A_1106 = tpu.memref_slice %arg2[%mul3A_4] : memref<384xi32, #tpu.memory_space<hbm>> -> memref<8xi32, #tpu.memory_space<hbm>>
        tpu.wait_dma2 semaphore(%run_scoped3A : memref<!tpu.dma_semaphore, #tpu.memory_space<semaphore_mem>>) src(%dma_wait3A_1106 : memref<8xi32, #tpu.memory_space<hbm>>) dst(%arg5 : memref<8xi32, #tpu.memory_space<vmem>>)
        tpu.yield
      }) : () -> ()
      %add3A_5 = arith.constant 192 : i32
      %add3A_6 = arith.addi %add3A_5, %mul3A_4 : i32
      "tpu.region"() ({
        %run_scoped3A = tpu.sem_alloc : memref<!tpu.dma_semaphore, #tpu.memory_space<semaphore_mem>>
        %dma_start3A_1103 = tpu.memref_slice %arg2[%add3A_6] : memref<384xi32, #tpu.memory_space<hbm>> -> memref<8xi32, #tpu.memory_space<hbm>>
        %dma_start3A_1104 = tpu.memref_slice %arg2[%add3A_6] : memref<384xi32, #tpu.memory_space<hbm>> -> memref<8xi32, #tpu.memory_space<hbm>>
        tpu.enqueue_dma source(%dma_start3A_1104 : memref<8xi32, #tpu.memory_space<hbm>>) target(%arg6 : memref<8xi32, #tpu.memory_space<vmem>>) target_semaphore(%run_scoped3A : memref<!tpu.dma_semaphore, #tpu.memory_space<semaphore_mem>>)
        %dma_wait3A_1105 = tpu.memref_slice %arg2[%add3A_6] : memref<384xi32, #tpu.memory_space<hbm>> -> memref<8xi32, #tpu.memory_space<hbm>>
        %dma_wait3A_1106 = tpu.memref_slice %arg2[%add3A_6] : memref<384xi32, #tpu.memory_space<hbm>> -> memref<8xi32, #tpu.memory_space<hbm>>
        tpu.wait_dma2 semaphore(%run_scoped3A : memref<!tpu.dma_semaphore, #tpu.memory_space<semaphore_mem>>) src(%dma_wait3A_1106 : memref<8xi32, #tpu.memory_space<hbm>>) dst(%arg6 : memref<8xi32, #tpu.memory_space<vmem>>)
        tpu.yield
      }) : () -> ()
      %dma_start3A = arith.constant 0 : i32
      %dma_start3A_7 = arith.constant 0 : i32
      %dma_start3A_8 = tpu.memref_slice %arg3[%dma_start3A, %dma_start3A_7] : memref<296x128xf32, #tpu.memory_space<hbm>> -> memref<296x128xf32, #tpu.memory_space<hbm>>
      tpu.enqueue_indirect_dma source(%dma_start3A_8 : memref<296x128xf32, #tpu.memory_space<hbm>>) target(%arg7 : memref<8x128xf32, #tpu.memory_space<vmem>>) offsets(%arg5 : memref<8xi32, #tpu.memory_space<vmem>>) semaphore(%arg10 : memref<!tpu.dma_semaphore, #tpu.memory_space<semaphore_mem>>)
      %dma_wait3A = arith.constant 0 : i32
      %dma_wait3A_9 = arith.constant 0 : i32
      %dma_wait3A_10 = tpu.memref_slice %arg3[%dma_wait3A, %dma_wait3A_9] : memref<296x128xf32, #tpu.memory_space<hbm>> -> memref<296x128xf32, #tpu.memory_space<hbm>>
      tpu.wait_indirect_dma semaphore(%arg10 : memref<!tpu.dma_semaphore, #tpu.memory_space<semaphore_mem>>) src(%dma_wait3A_10 : memref<296x128xf32, #tpu.memory_space<hbm>>) dst(%arg7 : memref<8x128xf32, #tpu.memory_space<vmem>>)
      %dma_start3A_11 = arith.constant 0 : i32
      %dma_start3A_12 = arith.constant 0 : i32
      %dma_start3A_13 = tpu.memref_slice %arg3[%dma_start3A_11, %dma_start3A_12] : memref<296x128xf32, #tpu.memory_space<hbm>> -> memref<296x128xf32, #tpu.memory_space<hbm>>
      tpu.enqueue_indirect_dma source(%dma_start3A_13 : memref<296x128xf32, #tpu.memory_space<hbm>>) target(%arg8 : memref<8x128xf32, #tpu.memory_space<vmem>>) offsets(%arg6 : memref<8xi32, #tpu.memory_space<vmem>>) semaphore(%arg11 : memref<!tpu.dma_semaphore, #tpu.memory_space<semaphore_mem>>)
      %dma_wait3A_14 = arith.constant 0 : i32
      %dma_wait3A_15 = arith.constant 0 : i32
      %dma_wait3A_16 = tpu.memref_slice %arg3[%dma_wait3A_14, %dma_wait3A_15] : memref<296x128xf32, #tpu.memory_space<hbm>> -> memref<296x128xf32, #tpu.memory_space<hbm>>
      tpu.wait_indirect_dma semaphore(%arg11 : memref<!tpu.dma_semaphore, #tpu.memory_space<semaphore_mem>>) src(%dma_wait3A_16 : memref<296x128xf32, #tpu.memory_space<hbm>>) dst(%arg8 : memref<8x128xf32, #tpu.memory_space<vmem>>)
      %get3A = arith.constant 0 : i32
      %get3A_17 = arith.index_cast %get3A : i32 to index
      %get3A_18 = arith.constant 0 : index
      %get3A_19 = tpu.vector_load %arg7[%get3A_17, %get3A_18] {strides = array<i32>} : memref<8x128xf32, #tpu.memory_space<vmem>>, vector<1x16xf32>,
      %get3A_20 = vector.shape_cast %get3A_19 : vector<1x16xf32> to vector<16xf32>
      %get3A_21 = arith.constant 0 : i32
      %get3A_22 = arith.index_cast %get3A_21 : i32 to index
      %get3A_23 = arith.constant 0 : index
      %get3A_24 = tpu.vector_load %arg8[%get3A_22, %get3A_23] {strides = array<i32>} : memref<8x128xf32, #tpu.memory_space<vmem>>, vector<1x16xf32>,
      %get3A_25 = vector.shape_cast %get3A_24 : vector<1x16xf32> to vector<16xf32>
      %add3A_26 = arith.addf %get3A_20, %get3A_25 : vector<16xf32>
      %swap3A = arith.constant 0 : i32
      %swap3A_27 = arith.index_cast %swap3A : i32 to index
      %swap3A_28 = arith.constant 0 : index
      %swap3A_29 = tpu.vector_load %arg9[%swap3A_27, %swap3A_28] {strides = array<i32>} : memref<8x128xf32, #tpu.memory_space<vmem>>, vector<1x16xf32>,
      %swap3A_30 = vector.shape_cast %swap3A_29 : vector<1x16xf32> to vector<16xf32>
      %swap3A_31 = vector.shape_cast %add3A_26 : vector<16xf32> to vector<1x16xf32>
      tpu.vector_store %arg9[%swap3A_27, %swap3A_28], %swap3A_31 {strides = array<i32>} : memref<8x128xf32, #tpu.memory_space<vmem>>, vector<1x16xf32>,
      %get3A_32 = arith.constant 0 : i32
      %get3A_33 = arith.index_cast %get3A_32 : i32 to index
      %get3A_34 = arith.constant 16 : index
      %get3A_35 = tpu.vector_load %arg7[%get3A_33, %get3A_34] {strides = array<i32>} : memref<8x128xf32, #tpu.memory_space<vmem>>, vector<1x16xf32>,
      %get3A_36 = vector.shape_cast %get3A_35 : vector<1x16xf32> to vector<16xf32>
      %get3A_37 = arith.constant 0 : i32
      %get3A_38 = arith.index_cast %get3A_37 : i32 to index
      %get3A_39 = arith.constant 16 : index
      %get3A_40 = tpu.vector_load %arg8[%get3A_38, %get3A_39] {strides = array<i32>} : memref<8x128xf32, #tpu.memory_space<vmem>>, vector<1x16xf32>,
      %get3A_41 = vector.shape_cast %get3A_40 : vector<1x16xf32> to vector<16xf32>
      %add3A_42 = arith.addf %get3A_36, %get3A_41 : vector<16xf32>
      %swap3A_43 = arith.constant 0 : i32
      %swap3A_44 = arith.index_cast %swap3A_43 : i32 to index
      %swap3A_45 = arith.constant 16 : index
      %swap3A_46 = tpu.vector_load %arg9[%swap3A_44, %swap3A_45] {strides = array<i32>} : memref<8x128xf32, #tpu.memory_space<vmem>>, vector<1x16xf32>,
      %swap3A_47 = vector.shape_cast %swap3A_46 : vector<1x16xf32> to vector<16xf32>
      %swap3A_48 = vector.shape_cast %add3A_42 : vector<16xf32> to vector<1x16xf32>
      tpu.vector_store %arg9[%swap3A_44, %swap3A_45], %swap3A_48 {strides = array<i32>} : memref<8x128xf32, #tpu.memory_space<vmem>>, vector<1x16xf32>,
      %get3A_49 = arith.constant 0 : i32
      %get3A_50 = arith.index_cast %get3A_49 : i32 to index
      %get3A_51 = arith.constant 32 : index
      %get3A_52 = tpu.vector_load %arg7[%get3A_50, %get3A_51] {strides = array<i32>} : memref<8x128xf32, #tpu.memory_space<vmem>>, vector<1x16xf32>,
      %get3A_53 = vector.shape_cast %get3A_52 : vector<1x16xf32> to vector<16xf32>
      %get3A_54 = arith.constant 0 : i32
      %get3A_55 = arith.index_cast %get3A_54 : i32 to index
      %get3A_56 = arith.constant 32 : index
      %get3A_57 = tpu.vector_load %arg8[%get3A_55, %get3A_56] {strides = array<i32>} : memref<8x128xf32, #tpu.memory_space<vmem>>, vector<1x16xf32>,
      %get3A_58 = vector.shape_cast %get3A_57 : vector<1x16xf32> to vector<16xf32>
      %add3A_59 = arith.addf %get3A_53, %get3A_58 : vector<16xf32>
      %swap3A_60 = arith.constant 0 : i32
      %swap3A_61 = arith.index_cast %swap3A_60 : i32 to index
      %swap3A_62 = arith.constant 32 : index
      %swap3A_63 = tpu.vector_load %arg9[%swap3A_61, %swap3A_62] {strides = array<i32>} : memref<8x128xf32, #tpu.memory_space<vmem>>, vector<1x16xf32>,
      %swap3A_64 = vector.shape_cast %swap3A_63 : vector<1x16xf32> to vector<16xf32>
      %swap3A_65 = vector.shape_cast %add3A_59 : vector<16xf32> to vector<1x16xf32>
      tpu.vector_store %arg9[%swap3A_61, %swap3A_62], %swap3A_65 {strides = array<i32>} : memref<8x128xf32, #tpu.memory_space<vmem>>, vector<1x16xf32>,
      %get3A_66 = arith.constant 0 : i32
      %get3A_67 = arith.index_cast %get3A_66 : i32 to index
      %get3A_68 = arith.constant 48 : index
      %get3A_69 = tpu.vector_load %arg7[%get3A_67, %get3A_68] {strides = array<i32>} : memref<8x128xf32, #tpu.memory_space<vmem>>, vector<1x16xf32>,
      %get3A_70 = vector.shape_cast %get3A_69 : vector<1x16xf32> to vector<16xf32>
      %get3A_71 = arith.constant 0 : i32
      %get3A_72 = arith.index_cast %get3A_71 : i32 to index
      %get3A_73 = arith.constant 48 : index
      %get3A_74 = tpu.vector_load %arg8[%get3A_72, %get3A_73] {strides = array<i32>} : memref<8x128xf32, #tpu.memory_space<vmem>>, vector<1x16xf32>,
      %get3A_75 = vector.shape_cast %get3A_74 : vector<1x16xf32> to vector<16xf32>
      %add3A_76 = arith.addf %get3A_70, %get3A_75 : vector<16xf32>
      %swap3A_77 = arith.constant 0 : i32
      %swap3A_78 = arith.index_cast %swap3A_77 : i32 to index
      %swap3A_79 = arith.constant 48 : index
      %swap3A_80 = tpu.vector_load %arg9[%swap3A_78, %swap3A_79] {strides = array<i32>} : memref<8x128xf32, #tpu.memory_space<vmem>>, vector<1x16xf32>,
      %swap3A_81 = vector.shape_cast %swap3A_80 : vector<1x16xf32> to vector<16xf32>
      %swap3A_82 = vector.shape_cast %add3A_76 : vector<16xf32> to vector<1x16xf32>
      tpu.vector_store %arg9[%swap3A_78, %swap3A_79], %swap3A_82 {strides = array<i32>} : memref<8x128xf32, #tpu.memory_space<vmem>>, vector<1x16xf32>,
      %get3A_83 = arith.constant 0 : i32
      %get3A_84 = arith.index_cast %get3A_83 : i32 to index
      %get3A_85 = arith.constant 64 : index
      %get3A_86 = tpu.vector_load %arg7[%get3A_84, %get3A_85] {strides = array<i32>} : memref<8x128xf32, #tpu.memory_space<vmem>>, vector<1x16xf32>,
      %get3A_87 = vector.shape_cast %get3A_86 : vector<1x16xf32> to vector<16xf32>
      %get3A_88 = arith.constant 0 : i32
      %get3A_89 = arith.index_cast %get3A_88 : i32 to index
      %get3A_90 = arith.constant 64 : index
      %get3A_91 = tpu.vector_load %arg8[%get3A_89, %get3A_90] {strides = array<i32>} : memref<8x128xf32, #tpu.memory_space<vmem>>, vector<1x16xf32>,
      %get3A_92 = vector.shape_cast %get3A_91 : vector<1x16xf32> to vector<16xf32>
      %add3A_93 = arith.addf %get3A_87, %get3A_92 : vector<16xf32>
      %swap3A_94 = arith.constant 0 : i32
      %swap3A_95 = arith.index_cast %swap3A_94 : i32 to index
      %swap3A_96 = arith.constant 64 : index
      %swap3A_97 = tpu.vector_load %arg9[%swap3A_95, %swap3A_96] {strides = array<i32>} : memref<8x128xf32, #tpu.memory_space<vmem>>, vector<1x16xf32>,
      %swap3A_98 = vector.shape_cast %swap3A_97 : vector<1x16xf32> to vector<16xf32>
      %swap3A_99 = vector.shape_cast %add3A_93 : vector<16xf32> to vector<1x16xf32>
      tpu.vector_store %arg9[%swap3A_95, %swap3A_96], %swap3A_99 {strides = array<i32>} : memref<8x128xf32, #tpu.memory_space<vmem>>, vector<1x16xf32>,
      %get3A_100 = arith.constant 0 : i32
      %get3A_101 = arith.index_cast %get3A_100 : i32 to index
      %get3A_102 = arith.constant 80 : index
      %get3A_103 = tpu.vector_load %arg7[%get3A_101, %get3A_102] {strides = array<i32>} : memref<8x128xf32, #tpu.memory_space<vmem>>, vector<1x16xf32>,
      %get3A_104 = vector.shape_cast %get3A_103 : vector<1x16xf32> to vector<16xf32>
      %get3A_105 = arith.constant 0 : i32
      %get3A_106 = arith.index_cast %get3A_105 : i32 to index
      %get3A_107 = arith.constant 80 : index
      %get3A_108 = tpu.vector_load %arg8[%get3A_106, %get3A_107] {strides = array<i32>} : memref<8x128xf32, #tpu.memory_space<vmem>>, vector<1x16xf32>,
      %get3A_109 = vector.shape_cast %get3A_108 : vector<1x16xf32> to vector<16xf32>
      %add3A_110 = arith.addf %get3A_104, %get3A_109 : vector<16xf32>
      %swap3A_111 = arith.constant 0 : i32
      %swap3A_112 = arith.index_cast %swap3A_111 : i32 to index
      %swap3A_113 = arith.constant 80 : index
      %swap3A_114 = tpu.vector_load %arg9[%swap3A_112, %swap3A_113] {strides = array<i32>} : memref<8x128xf32, #tpu.memory_space<vmem>>, vector<1x16xf32>,
      %swap3A_115 = vector.shape_cast %swap3A_114 : vector<1x16xf32> to vector<16xf32>
      %swap3A_116 = vector.shape_cast %add3A_110 : vector<16xf32> to vector<1x16xf32>
      tpu.vector_store %arg9[%swap3A_112, %swap3A_113], %swap3A_116 {strides = array<i32>} : memref<8x128xf32, #tpu.memory_space<vmem>>, vector<1x16xf32>,
      %get3A_117 = arith.constant 0 : i32
      %get3A_118 = arith.index_cast %get3A_117 : i32 to index
      %get3A_119 = arith.constant 96 : index
      %get3A_120 = tpu.vector_load %arg7[%get3A_118, %get3A_119] {strides = array<i32>} : memref<8x128xf32, #tpu.memory_space<vmem>>, vector<1x16xf32>,
      %get3A_121 = vector.shape_cast %get3A_120 : vector<1x16xf32> to vector<16xf32>
      %get3A_122 = arith.constant 0 : i32
      %get3A_123 = arith.index_cast %get3A_122 : i32 to index
      %get3A_124 = arith.constant 96 : index
      %get3A_125 = tpu.vector_load %arg8[%get3A_123, %get3A_124] {strides = array<i32>} : memref<8x128xf32, #tpu.memory_space<vmem>>, vector<1x16xf32>,
      %get3A_126 = vector.shape_cast %get3A_125 : vector<1x16xf32> to vector<16xf32>
      %add3A_127 = arith.addf %get3A_121, %get3A_126 : vector<16xf32>
      %swap3A_128 = arith.constant 0 : i32
      %swap3A_129 = arith.index_cast %swap3A_128 : i32 to index
      %swap3A_130 = arith.constant 96 : index
      %swap3A_131 = tpu.vector_load %arg9[%swap3A_129, %swap3A_130] {strides = array<i32>} : memref<8x128xf32, #tpu.memory_space<vmem>>, vector<1x16xf32>,
      %swap3A_132 = vector.shape_cast %swap3A_131 : vector<1x16xf32> to vector<16xf32>
      %swap3A_133 = vector.shape_cast %add3A_127 : vector<16xf32> to vector<1x16xf32>
      tpu.vector_store %arg9[%swap3A_129, %swap3A_130], %swap3A_133 {strides = array<i32>} : memref<8x128xf32, #tpu.memory_space<vmem>>, vector<1x16xf32>,
      %get3A_134 = arith.constant 0 : i32
      %get3A_135 = arith.index_cast %get3A_134 : i32 to index
      %get3A_136 = arith.constant 112 : index
      %get3A_137 = tpu.vector_load %arg7[%get3A_135, %get3A_136] {strides = array<i32>} : memref<8x128xf32, #tpu.memory_space<vmem>>, vector<1x16xf32>,
      %get3A_138 = vector.shape_cast %get3A_137 : vector<1x16xf32> to vector<16xf32>
      %get3A_139 = arith.constant 0 : i32
      %get3A_140 = arith.index_cast %get3A_139 : i32 to index
      %get3A_141 = arith.constant 112 : index
      %get3A_142 = tpu.vector_load %arg8[%get3A_140, %get3A_141] {strides = array<i32>} : memref<8x128xf32, #tpu.memory_space<vmem>>, vector<1x16xf32>,
      %get3A_143 = vector.shape_cast %get3A_142 : vector<1x16xf32> to vector<16xf32>
      %add3A_144 = arith.addf %get3A_138, %get3A_143 : vector<16xf32>
      %swap3A_145 = arith.constant 0 : i32
      %swap3A_146 = arith.index_cast %swap3A_145 : i32 to index
      %swap3A_147 = arith.constant 112 : index
      %swap3A_148 = tpu.vector_load %arg9[%swap3A_146, %swap3A_147] {strides = array<i32>} : memref<8x128xf32, #tpu.memory_space<vmem>>, vector<1x16xf32>,
      %swap3A_149 = vector.shape_cast %swap3A_148 : vector<1x16xf32> to vector<16xf32>
      %swap3A_150 = vector.shape_cast %add3A_144 : vector<16xf32> to vector<1x16xf32>
      tpu.vector_store %arg9[%swap3A_146, %swap3A_147], %swap3A_150 {strides = array<i32>} : memref<8x128xf32, #tpu.memory_space<vmem>>, vector<1x16xf32>,
      %get3A_151 = arith.constant 1 : i32
      %get3A_152 = arith.index_cast %get3A_151 : i32 to index
      %get3A_153 = arith.constant 0 : index
      %get3A_154 = tpu.vector_load %arg7[%get3A_152, %get3A_153] {strides = array<i32>} : memref<8x128xf32, #tpu.memory_space<vmem>>, vector<1x16xf32>,
      %get3A_155 = vector.shape_cast %get3A_154 : vector<1x16xf32> to vector<16xf32>
      %get3A_156 = arith.constant 1 : i32
      %get3A_157 = arith.index_cast %get3A_156 : i32 to index
      %get3A_158 = arith.constant 0 : index
      %get3A_159 = tpu.vector_load %arg8[%get3A_157, %get3A_158] {strides = array<i32>} : memref<8x128xf32, #tpu.memory_space<vmem>>, vector<1x16xf32>,
      %get3A_160 = vector.shape_cast %get3A_159 : vector<1x16xf32> to vector<16xf32>
      %add3A_161 = arith.addf %get3A_155, %get3A_160 : vector<16xf32>
      %swap3A_162 = arith.constant 1 : i32
      %swap3A_163 = arith.index_cast %swap3A_162 : i32 to index
      %swap3A_164 = arith.constant 0 : index
      %swap3A_165 = tpu.vector_load %arg9[%swap3A_163, %swap3A_164] {strides = array<i32>} : memref<8x128xf32, #tpu.memory_space<vmem>>, vector<1x16xf32>,
      %swap3A_166 = vector.shape_cast %swap3A_165 : vector<1x16xf32> to vector<16xf32>
      %swap3A_167 = vector.shape_cast %add3A_161 : vector<16xf32> to vector<1x16xf32>
      tpu.vector_store %arg9[%swap3A_163, %swap3A_164], %swap3A_167 {strides = array<i32>} : memref<8x128xf32, #tpu.memory_space<vmem>>, vector<1x16xf32>,
      %get3A_168 = arith.constant 1 : i32
      %get3A_169 = arith.index_cast %get3A_168 : i32 to index
      %get3A_170 = arith.constant 16 : index
      %get3A_171 = tpu.vector_load %arg7[%get3A_169, %get3A_170] {strides = array<i32>} : memref<8x128xf32, #tpu.memory_space<vmem>>, vector<1x16xf32>,
      %get3A_172 = vector.shape_cast %get3A_171 : vector<1x16xf32> to vector<16xf32>
      %get3A_173 = arith.constant 1 : i32
      %get3A_174 = arith.index_cast %get3A_173 : i32 to index
      %get3A_175 = arith.constant 16 : index
      %get3A_176 = tpu.vector_load %arg8[%get3A_174, %get3A_175] {strides = array<i32>} : memref<8x128xf32, #tpu.memory_space<vmem>>, vector<1x16xf32>,
      %get3A_177 = vector.shape_cast %get3A_176 : vector<1x16xf32> to vector<16xf32>
      %add3A_178 = arith.addf %get3A_172, %get3A_177 : vector<16xf32>
      %swap3A_179 = arith.constant 1 : i32
      %swap3A_180 = arith.index_cast %swap3A_179 : i32 to index
      %swap3A_181 = arith.constant 16 : index
      %swap3A_182 = tpu.vector_load %arg9[%swap3A_180, %swap3A_181] {strides = array<i32>} : memref<8x128xf32, #tpu.memory_space<vmem>>, vector<1x16xf32>,
      %swap3A_183 = vector.shape_cast %swap3A_182 : vector<1x16xf32> to vector<16xf32>
      %swap3A_184 = vector.shape_cast %add3A_178 : vector<16xf32> to vector<1x16xf32>
      tpu.vector_store %arg9[%swap3A_180, %swap3A_181], %swap3A_184 {strides = array<i32>} : memref<8x128xf32, #tpu.memory_space<vmem>>, vector<1x16xf32>,
      %get3A_185 = arith.constant 1 : i32
      %get3A_186 = arith.index_cast %get3A_185 : i32 to index
      %get3A_187 = arith.constant 32 : index
      %get3A_188 = tpu.vector_load %arg7[%get3A_186, %get3A_187] {strides = array<i32>} : memref<8x128xf32, #tpu.memory_space<vmem>>, vector<1x16xf32>,
      %get3A_189 = vector.shape_cast %get3A_188 : vector<1x16xf32> to vector<16xf32>
      %get3A_190 = arith.constant 1 : i32
      %get3A_191 = arith.index_cast %get3A_190 : i32 to index
      %get3A_192 = arith.constant 32 : index
      %get3A_193 = tpu.vector_load %arg8[%get3A_191, %get3A_192] {strides = array<i32>} : memref<8x128xf32, #tpu.memory_space<vmem>>, vector<1x16xf32>,
      %get3A_194 = vector.shape_cast %get3A_193 : vector<1x16xf32> to vector<16xf32>
      %add3A_195 = arith.addf %get3A_189, %get3A_194 : vector<16xf32>
      %swap3A_196 = arith.constant 1 : i32
      %swap3A_197 = arith.index_cast %swap3A_196 : i32 to index
      %swap3A_198 = arith.constant 32 : index
      %swap3A_199 = tpu.vector_load %arg9[%swap3A_197, %swap3A_198] {strides = array<i32>} : memref<8x128xf32, #tpu.memory_space<vmem>>, vector<1x16xf32>,
      %swap3A_200 = vector.shape_cast %swap3A_199 : vector<1x16xf32> to vector<16xf32>
      %swap3A_201 = vector.shape_cast %add3A_195 : vector<16xf32> to vector<1x16xf32>
      tpu.vector_store %arg9[%swap3A_197, %swap3A_198], %swap3A_201 {strides = array<i32>} : memref<8x128xf32, #tpu.memory_space<vmem>>, vector<1x16xf32>,
      %get3A_202 = arith.constant 1 : i32
      %get3A_203 = arith.index_cast %get3A_202 : i32 to index
      %get3A_204 = arith.constant 48 : index
      %get3A_205 = tpu.vector_load %arg7[%get3A_203, %get3A_204] {strides = array<i32>} : memref<8x128xf32, #tpu.memory_space<vmem>>, vector<1x16xf32>,
      %get3A_206 = vector.shape_cast %get3A_205 : vector<1x16xf32> to vector<16xf32>
      %get3A_207 = arith.constant 1 : i32
      %get3A_208 = arith.index_cast %get3A_207 : i32 to index
      %get3A_209 = arith.constant 48 : index
      %get3A_210 = tpu.vector_load %arg8[%get3A_208, %get3A_209] {strides = array<i32>} : memref<8x128xf32, #tpu.memory_space<vmem>>, vector<1x16xf32>,
      %get3A_211 = vector.shape_cast %get3A_210 : vector<1x16xf32> to vector<16xf32>
      %add3A_212 = arith.addf %get3A_206, %get3A_211 : vector<16xf32>
      %swap3A_213 = arith.constant 1 : i32
      %swap3A_214 = arith.index_cast %swap3A_213 : i32 to index
      %swap3A_215 = arith.constant 48 : index
      %swap3A_216 = tpu.vector_load %arg9[%swap3A_214, %swap3A_215] {strides = array<i32>} : memref<8x128xf32, #tpu.memory_space<vmem>>, vector<1x16xf32>,
      %swap3A_217 = vector.shape_cast %swap3A_216 : vector<1x16xf32> to vector<16xf32>
      %swap3A_218 = vector.shape_cast %add3A_212 : vector<16xf32> to vector<1x16xf32>
      tpu.vector_store %arg9[%swap3A_214, %swap3A_215], %swap3A_218 {strides = array<i32>} : memref<8x128xf32, #tpu.memory_space<vmem>>, vector<1x16xf32>,
      %get3A_219 = arith.constant 1 : i32
      %get3A_220 = arith.index_cast %get3A_219 : i32 to index
      %get3A_221 = arith.constant 64 : index
      %get3A_222 = tpu.vector_load %arg7[%get3A_220, %get3A_221] {strides = array<i32>} : memref<8x128xf32, #tpu.memory_space<vmem>>, vector<1x16xf32>,
      %get3A_223 = vector.shape_cast %get3A_222 : vector<1x16xf32> to vector<16xf32>
      %get3A_224 = arith.constant 1 : i32
      %get3A_225 = arith.index_cast %get3A_224 : i32 to index
      %get3A_226 = arith.constant 64 : index
      %get3A_227 = tpu.vector_load %arg8[%get3A_225, %get3A_226] {strides = array<i32>} : memref<8x128xf32, #tpu.memory_space<vmem>>, vector<1x16xf32>,
      %get3A_228 = vector.shape_cast %get3A_227 : vector<1x16xf32> to vector<16xf32>
      %add3A_229 = arith.addf %get3A_223, %get3A_228 : vector<16xf32>
      %swap3A_230 = arith.constant 1 : i32
      %swap3A_231 = arith.index_cast %swap3A_230 : i32 to index
      %swap3A_232 = arith.constant 64 : index
      %swap3A_233 = tpu.vector_load %arg9[%swap3A_231, %swap3A_232] {strides = array<i32>} : memref<8x128xf32, #tpu.memory_space<vmem>>, vector<1x16xf32>,
      %swap3A_234 = vector.shape_cast %swap3A_233 : vector<1x16xf32> to vector<16xf32>
      %swap3A_235 = vector.shape_cast %add3A_229 : vector<16xf32> to vector<1x16xf32>
      tpu.vector_store %arg9[%swap3A_231, %swap3A_232], %swap3A_235 {strides = array<i32>} : memref<8x128xf32, #tpu.memory_space<vmem>>, vector<1x16xf32>,
      %get3A_236 = arith.constant 1 : i32
      %get3A_237 = arith.index_cast %get3A_236 : i32 to index
      %get3A_238 = arith.constant 80 : index
      %get3A_239 = tpu.vector_load %arg7[%get3A_237, %get3A_238] {strides = array<i32>} : memref<8x128xf32, #tpu.memory_space<vmem>>, vector<1x16xf32>,
      %get3A_240 = vector.shape_cast %get3A_239 : vector<1x16xf32> to vector<16xf32>
      %get3A_241 = arith.constant 1 : i32
      %get3A_242 = arith.index_cast %get3A_241 : i32 to index
      %get3A_243 = arith.constant 80 : index
      %get3A_244 = tpu.vector_load %arg8[%get3A_242, %get3A_243] {strides = array<i32>} : memref<8x128xf32, #tpu.memory_space<vmem>>, vector<1x16xf32>,
      %get3A_245 = vector.shape_cast %get3A_244 : vector<1x16xf32> to vector<16xf32>
      %add3A_246 = arith.addf %get3A_240, %get3A_245 : vector<16xf32>
      %swap3A_247 = arith.constant 1 : i32
      %swap3A_248 = arith.index_cast %swap3A_247 : i32 to index
      %swap3A_249 = arith.constant 80 : index
      %swap3A_250 = tpu.vector_load %arg9[%swap3A_248, %swap3A_249] {strides = array<i32>} : memref<8x128xf32, #tpu.memory_space<vmem>>, vector<1x16xf32>,
      %swap3A_251 = vector.shape_cast %swap3A_250 : vector<1x16xf32> to vector<16xf32>
      %swap3A_252 = vector.shape_cast %add3A_246 : vector<16xf32> to vector<1x16xf32>
      tpu.vector_store %arg9[%swap3A_248, %swap3A_249], %swap3A_252 {strides = array<i32>} : memref<8x128xf32, #tpu.memory_space<vmem>>, vector<1x16xf32>,
      %get3A_253 = arith.constant 1 : i32
      %get3A_254 = arith.index_cast %get3A_253 : i32 to index
      %get3A_255 = arith.constant 96 : index
      %get3A_256 = tpu.vector_load %arg7[%get3A_254, %get3A_255] {strides = array<i32>} : memref<8x128xf32, #tpu.memory_space<vmem>>, vector<1x16xf32>,
      %get3A_257 = vector.shape_cast %get3A_256 : vector<1x16xf32> to vector<16xf32>
      %get3A_258 = arith.constant 1 : i32
      %get3A_259 = arith.index_cast %get3A_258 : i32 to index
      %get3A_260 = arith.constant 96 : index
      %get3A_261 = tpu.vector_load %arg8[%get3A_259, %get3A_260] {strides = array<i32>} : memref<8x128xf32, #tpu.memory_space<vmem>>, vector<1x16xf32>,
      %get3A_262 = vector.shape_cast %get3A_261 : vector<1x16xf32> to vector<16xf32>
      %add3A_263 = arith.addf %get3A_257, %get3A_262 : vector<16xf32>
      %swap3A_264 = arith.constant 1 : i32
      %swap3A_265 = arith.index_cast %swap3A_264 : i32 to index
      %swap3A_266 = arith.constant 96 : index
      %swap3A_267 = tpu.vector_load %arg9[%swap3A_265, %swap3A_266] {strides = array<i32>} : memref<8x128xf32, #tpu.memory_space<vmem>>, vector<1x16xf32>,
      %swap3A_268 = vector.shape_cast %swap3A_267 : vector<1x16xf32> to vector<16xf32>
      %swap3A_269 = vector.shape_cast %add3A_263 : vector<16xf32> to vector<1x16xf32>
      tpu.vector_store %arg9[%swap3A_265, %swap3A_266], %swap3A_269 {strides = array<i32>} : memref<8x128xf32, #tpu.memory_space<vmem>>, vector<1x16xf32>,
      %get3A_270 = arith.constant 1 : i32
      %get3A_271 = arith.index_cast %get3A_270 : i32 to index
      %get3A_272 = arith.constant 112 : index
      %get3A_273 = tpu.vector_load %arg7[%get3A_271, %get3A_272] {strides = array<i32>} : memref<8x128xf32, #tpu.memory_space<vmem>>, vector<1x16xf32>,
      %get3A_274 = vector.shape_cast %get3A_273 : vector<1x16xf32> to vector<16xf32>
      %get3A_275 = arith.constant 1 : i32
      %get3A_276 = arith.index_cast %get3A_275 : i32 to index
      %get3A_277 = arith.constant 112 : index
      %get3A_278 = tpu.vector_load %arg8[%get3A_276, %get3A_277] {strides = array<i32>} : memref<8x128xf32, #tpu.memory_space<vmem>>, vector<1x16xf32>,
      %get3A_279 = vector.shape_cast %get3A_278 : vector<1x16xf32> to vector<16xf32>
      %add3A_280 = arith.addf %get3A_274, %get3A_279 : vector<16xf32>
      %swap3A_281 = arith.constant 1 : i32
      %swap3A_282 = arith.index_cast %swap3A_281 : i32 to index
      %swap3A_283 = arith.constant 112 : index
      %swap3A_284 = tpu.vector_load %arg9[%swap3A_282, %swap3A_283] {strides = array<i32>} : memref<8x128xf32, #tpu.memory_space<vmem>>, vector<1x16xf32>,
      %swap3A_285 = vector.shape_cast %swap3A_284 : vector<1x16xf32> to vector<16xf32>
      %swap3A_286 = vector.shape_cast %add3A_280 : vector<16xf32> to vector<1x16xf32>
      tpu.vector_store %arg9[%swap3A_282, %swap3A_283], %swap3A_286 {strides = array<i32>} : memref<8x128xf32, #tpu.memory_space<vmem>>, vector<1x16xf32>,
      %get3A_287 = arith.constant 2 : i32
      %get3A_288 = arith.index_cast %get3A_287 : i32 to index
      %get3A_289 = arith.constant 0 : index
      %get3A_290 = tpu.vector_load %arg7[%get3A_288, %get3A_289] {strides = array<i32>} : memref<8x128xf32, #tpu.memory_space<vmem>>, vector<1x16xf32>,
      %get3A_291 = vector.shape_cast %get3A_290 : vector<1x16xf32> to vector<16xf32>
      %get3A_292 = arith.constant 2 : i32
      %get3A_293 = arith.index_cast %get3A_292 : i32 to index
      %get3A_294 = arith.constant 0 : index
      %get3A_295 = tpu.vector_load %arg8[%get3A_293, %get3A_294] {strides = array<i32>} : memref<8x128xf32, #tpu.memory_space<vmem>>, vector<1x16xf32>,
      %get3A_296 = vector.shape_cast %get3A_295 : vector<1x16xf32> to vector<16xf32>
      %add3A_297 = arith.addf %get3A_291, %get3A_296 : vector<16xf32>
      %swap3A_298 = arith.constant 2 : i32
      %swap3A_299 = arith.index_cast %swap3A_298 : i32 to index
      %swap3A_300 = arith.constant 0 : index
      %swap3A_301 = tpu.vector_load %arg9[%swap3A_299, %swap3A_300] {strides = array<i32>} : memref<8x128xf32, #tpu.memory_space<vmem>>, vector<1x16xf32>,
      %swap3A_302 = vector.shape_cast %swap3A_301 : vector<1x16xf32> to vector<16xf32>
      %swap3A_303 = vector.shape_cast %add3A_297 : vector<16xf32> to vector<1x16xf32>
      tpu.vector_store %arg9[%swap3A_299, %swap3A_300], %swap3A_303 {strides = array<i32>} : memref<8x128xf32, #tpu.memory_space<vmem>>, vector<1x16xf32>,
      %get3A_304 = arith.constant 2 : i32
      %get3A_305 = arith.index_cast %get3A_304 : i32 to index
      %get3A_306 = arith.constant 16 : index
      %get3A_307 = tpu.vector_load %arg7[%get3A_305, %get3A_306] {strides = array<i32>} : memref<8x128xf32, #tpu.memory_space<vmem>>, vector<1x16xf32>,
      %get3A_308 = vector.shape_cast %get3A_307 : vector<1x16xf32> to vector<16xf32>
      %get3A_309 = arith.constant 2 : i32
      %get3A_310 = arith.index_cast %get3A_309 : i32 to index
      %get3A_311 = arith.constant 16 : index
      %get3A_312 = tpu.vector_load %arg8[%get3A_310, %get3A_311] {strides = array<i32>} : memref<8x128xf32, #tpu.memory_space<vmem>>, vector<1x16xf32>,
      %get3A_313 = vector.shape_cast %get3A_312 : vector<1x16xf32> to vector<16xf32>
      %add3A_314 = arith.addf %get3A_308, %get3A_313 : vector<16xf32>
      %swap3A_315 = arith.constant 2 : i32
      %swap3A_316 = arith.index_cast %swap3A_315 : i32 to index
      %swap3A_317 = arith.constant 16 : index
      %swap3A_318 = tpu.vector_load %arg9[%swap3A_316, %swap3A_317] {strides = array<i32>} : memref<8x128xf32, #tpu.memory_space<vmem>>, vector<1x16xf32>,
      %swap3A_319 = vector.shape_cast %swap3A_318 : vector<1x16xf32> to vector<16xf32>
      %swap3A_320 = vector.shape_cast %add3A_314 : vector<16xf32> to vector<1x16xf32>
      tpu.vector_store %arg9[%swap3A_316, %swap3A_317], %swap3A_320 {strides = array<i32>} : memref<8x128xf32, #tpu.memory_space<vmem>>, vector<1x16xf32>,
      %get3A_321 = arith.constant 2 : i32
      %get3A_322 = arith.index_cast %get3A_321 : i32 to index
      %get3A_323 = arith.constant 32 : index
      %get3A_324 = tpu.vector_load %arg7[%get3A_322, %get3A_323] {strides = array<i32>} : memref<8x128xf32, #tpu.memory_space<vmem>>, vector<1x16xf32>,
      %get3A_325 = vector.shape_cast %get3A_324 : vector<1x16xf32> to vector<16xf32>
      %get3A_326 = arith.constant 2 : i32
      %get3A_327 = arith.index_cast %get3A_326 : i32 to index
      %get3A_328 = arith.constant 32 : index
      %get3A_329 = tpu.vector_load %arg8[%get3A_327, %get3A_328] {strides = array<i32>} : memref<8x128xf32, #tpu.memory_space<vmem>>, vector<1x16xf32>,
      %get3A_330 = vector.shape_cast %get3A_329 : vector<1x16xf32> to vector<16xf32>
      %add3A_331 = arith.addf %get3A_325, %get3A_330 : vector<16xf32>
      %swap3A_332 = arith.constant 2 : i32
      %swap3A_333 = arith.index_cast %swap3A_332 : i32 to index
      %swap3A_334 = arith.constant 32 : index
      %swap3A_335 = tpu.vector_load %arg9[%swap3A_333, %swap3A_334] {strides = array<i32>} : memref<8x128xf32, #tpu.memory_space<vmem>>, vector<1x16xf32>,
      %swap3A_336 = vector.shape_cast %swap3A_335 : vector<1x16xf32> to vector<16xf32>
      %swap3A_337 = vector.shape_cast %add3A_331 : vector<16xf32> to vector<1x16xf32>
      tpu.vector_store %arg9[%swap3A_333, %swap3A_334], %swap3A_337 {strides = array<i32>} : memref<8x128xf32, #tpu.memory_space<vmem>>, vector<1x16xf32>,
      %get3A_338 = arith.constant 2 : i32
      %get3A_339 = arith.index_cast %get3A_338 : i32 to index
      %get3A_340 = arith.constant 48 : index
      %get3A_341 = tpu.vector_load %arg7[%get3A_339, %get3A_340] {strides = array<i32>} : memref<8x128xf32, #tpu.memory_space<vmem>>, vector<1x16xf32>,
      %get3A_342 = vector.shape_cast %get3A_341 : vector<1x16xf32> to vector<16xf32>
      %get3A_343 = arith.constant 2 : i32
      %get3A_344 = arith.index_cast %get3A_343 : i32 to index
      %get3A_345 = arith.constant 48 : index
      %get3A_346 = tpu.vector_load %arg8[%get3A_344, %get3A_345] {strides = array<i32>} : memref<8x128xf32, #tpu.memory_space<vmem>>, vector<1x16xf32>,
      %get3A_347 = vector.shape_cast %get3A_346 : vector<1x16xf32> to vector<16xf32>
      %add3A_348 = arith.addf %get3A_342, %get3A_347 : vector<16xf32>
      %swap3A_349 = arith.constant 2 : i32
      %swap3A_350 = arith.index_cast %swap3A_349 : i32 to index
      %swap3A_351 = arith.constant 48 : index
      %swap3A_352 = tpu.vector_load %arg9[%swap3A_350, %swap3A_351] {strides = array<i32>} : memref<8x128xf32, #tpu.memory_space<vmem>>, vector<1x16xf32>,
      %swap3A_353 = vector.shape_cast %swap3A_352 : vector<1x16xf32> to vector<16xf32>
      %swap3A_354 = vector.shape_cast %add3A_348 : vector<16xf32> to vector<1x16xf32>
      tpu.vector_store %arg9[%swap3A_350, %swap3A_351], %swap3A_354 {strides = array<i32>} : memref<8x128xf32, #tpu.memory_space<vmem>>, vector<1x16xf32>,
      %get3A_355 = arith.constant 2 : i32
      %get3A_356 = arith.index_cast %get3A_355 : i32 to index
      %get3A_357 = arith.constant 64 : index
      %get3A_358 = tpu.vector_load %arg7[%get3A_356, %get3A_357] {strides = array<i32>} : memref<8x128xf32, #tpu.memory_space<vmem>>, vector<1x16xf32>,
      %get3A_359 = vector.shape_cast %get3A_358 : vector<1x16xf32> to vector<16xf32>
      %get3A_360 = arith.constant 2 : i32
      %get3A_361 = arith.index_cast %get3A_360 : i32 to index
      %get3A_362 = arith.constant 64 : index
      %get3A_363 = tpu.vector_load %arg8[%get3A_361, %get3A_362] {strides = array<i32>} : memref<8x128xf32, #tpu.memory_space<vmem>>, vector<1x16xf32>,
      %get3A_364 = vector.shape_cast %get3A_363 : vector<1x16xf32> to vector<16xf32>
      %add3A_365 = arith.addf %get3A_359, %get3A_364 : vector<16xf32>
      %swap3A_366 = arith.constant 2 : i32
      %swap3A_367 = arith.index_cast %swap3A_366 : i32 to index
      %swap3A_368 = arith.constant 64 : index
      %swap3A_369 = tpu.vector_load %arg9[%swap3A_367, %swap3A_368] {strides = array<i32>} : memref<8x128xf32, #tpu.memory_space<vmem>>, vector<1x16xf32>,
      %swap3A_370 = vector.shape_cast %swap3A_369 : vector<1x16xf32> to vector<16xf32>
      %swap3A_371 = vector.shape_cast %add3A_365 : vector<16xf32> to vector<1x16xf32>
      tpu.vector_store %arg9[%swap3A_367, %swap3A_368], %swap3A_371 {strides = array<i32>} : memref<8x128xf32, #tpu.memory_space<vmem>>, vector<1x16xf32>,
      %get3A_372 = arith.constant 2 : i32
      %get3A_373 = arith.index_cast %get3A_372 : i32 to index
      %get3A_374 = arith.constant 80 : index
      %get3A_375 = tpu.vector_load %arg7[%get3A_373, %get3A_374] {strides = array<i32>} : memref<8x128xf32, #tpu.memory_space<vmem>>, vector<1x16xf32>,
      %get3A_376 = vector.shape_cast %get3A_375 : vector<1x16xf32> to vector<16xf32>
      %get3A_377 = arith.constant 2 : i32
      %get3A_378 = arith.index_cast %get3A_377 : i32 to index
      %get3A_379 = arith.constant 80 : index
      %get3A_380 = tpu.vector_load %arg8[%get3A_378, %get3A_379] {strides = array<i32>} : memref<8x128xf32, #tpu.memory_space<vmem>>, vector<1x16xf32>,
      %get3A_381 = vector.shape_cast %get3A_380 : vector<1x16xf32> to vector<16xf32>
      %add3A_382 = arith.addf %get3A_376, %get3A_381 : vector<16xf32>
      %swap3A_383 = arith.constant 2 : i32
      %swap3A_384 = arith.index_cast %swap3A_383 : i32 to index
      %swap3A_385 = arith.constant 80 : index
      %swap3A_386 = tpu.vector_load %arg9[%swap3A_384, %swap3A_385] {strides = array<i32>} : memref<8x128xf32, #tpu.memory_space<vmem>>, vector<1x16xf32>,
      %swap3A_387 = vector.shape_cast %swap3A_386 : vector<1x16xf32> to vector<16xf32>
      %swap3A_388 = vector.shape_cast %add3A_382 : vector<16xf32> to vector<1x16xf32>
      tpu.vector_store %arg9[%swap3A_384, %swap3A_385], %swap3A_388 {strides = array<i32>} : memref<8x128xf32, #tpu.memory_space<vmem>>, vector<1x16xf32>,
      %get3A_389 = arith.constant 2 : i32
      %get3A_390 = arith.index_cast %get3A_389 : i32 to index
      %get3A_391 = arith.constant 96 : index
      %get3A_392 = tpu.vector_load %arg7[%get3A_390, %get3A_391] {strides = array<i32>} : memref<8x128xf32, #tpu.memory_space<vmem>>, vector<1x16xf32>,
      %get3A_393 = vector.shape_cast %get3A_392 : vector<1x16xf32> to vector<16xf32>
      %get3A_394 = arith.constant 2 : i32
      %get3A_395 = arith.index_cast %get3A_394 : i32 to index
      %get3A_396 = arith.constant 96 : index
      %get3A_397 = tpu.vector_load %arg8[%get3A_395, %get3A_396] {strides = array<i32>} : memref<8x128xf32, #tpu.memory_space<vmem>>, vector<1x16xf32>,
      %get3A_398 = vector.shape_cast %get3A_397 : vector<1x16xf32> to vector<16xf32>
      %add3A_399 = arith.addf %get3A_393, %get3A_398 : vector<16xf32>
      %swap3A_400 = arith.constant 2 : i32
      %swap3A_401 = arith.index_cast %swap3A_400 : i32 to index
      %swap3A_402 = arith.constant 96 : index
      %swap3A_403 = tpu.vector_load %arg9[%swap3A_401, %swap3A_402] {strides = array<i32>} : memref<8x128xf32, #tpu.memory_space<vmem>>, vector<1x16xf32>,
      %swap3A_404 = vector.shape_cast %swap3A_403 : vector<1x16xf32> to vector<16xf32>
      %swap3A_405 = vector.shape_cast %add3A_399 : vector<16xf32> to vector<1x16xf32>
      tpu.vector_store %arg9[%swap3A_401, %swap3A_402], %swap3A_405 {strides = array<i32>} : memref<8x128xf32, #tpu.memory_space<vmem>>, vector<1x16xf32>,
      %get3A_406 = arith.constant 2 : i32
      %get3A_407 = arith.index_cast %get3A_406 : i32 to index
      %get3A_408 = arith.constant 112 : index
      %get3A_409 = tpu.vector_load %arg7[%get3A_407, %get3A_408] {strides = array<i32>} : memref<8x128xf32, #tpu.memory_space<vmem>>, vector<1x16xf32>,
      %get3A_410 = vector.shape_cast %get3A_409 : vector<1x16xf32> to vector<16xf32>
      %get3A_411 = arith.constant 2 : i32
      %get3A_412 = arith.index_cast %get3A_411 : i32 to index
      %get3A_413 = arith.constant 112 : index
      %get3A_414 = tpu.vector_load %arg8[%get3A_412, %get3A_413] {strides = array<i32>} : memref<8x128xf32, #tpu.memory_space<vmem>>, vector<1x16xf32>,
      %get3A_415 = vector.shape_cast %get3A_414 : vector<1x16xf32> to vector<16xf32>
      %add3A_416 = arith.addf %get3A_410, %get3A_415 : vector<16xf32>
      %swap3A_417 = arith.constant 2 : i32
      %swap3A_418 = arith.index_cast %swap3A_417 : i32 to index
      %swap3A_419 = arith.constant 112 : index
      %swap3A_420 = tpu.vector_load %arg9[%swap3A_418, %swap3A_419] {strides = array<i32>} : memref<8x128xf32, #tpu.memory_space<vmem>>, vector<1x16xf32>,
      %swap3A_421 = vector.shape_cast %swap3A_420 : vector<1x16xf32> to vector<16xf32>
      %swap3A_422 = vector.shape_cast %add3A_416 : vector<16xf32> to vector<1x16xf32>
      tpu.vector_store %arg9[%swap3A_418, %swap3A_419], %swap3A_422 {strides = array<i32>} : memref<8x128xf32, #tpu.memory_space<vmem>>, vector<1x16xf32>,
      %get3A_423 = arith.constant 3 : i32
      %get3A_424 = arith.index_cast %get3A_423 : i32 to index
      %get3A_425 = arith.constant 0 : index
      %get3A_426 = tpu.vector_load %arg7[%get3A_424, %get3A_425] {strides = array<i32>} : memref<8x128xf32, #tpu.memory_space<vmem>>, vector<1x16xf32>,
      %get3A_427 = vector.shape_cast %get3A_426 : vector<1x16xf32> to vector<16xf32>
      %get3A_428 = arith.constant 3 : i32
      %get3A_429 = arith.index_cast %get3A_428 : i32 to index
      %get3A_430 = arith.constant 0 : index
      %get3A_431 = tpu.vector_load %arg8[%get3A_429, %get3A_430] {strides = array<i32>} : memref<8x128xf32, #tpu.memory_space<vmem>>, vector<1x16xf32>,
      %get3A_432 = vector.shape_cast %get3A_431 : vector<1x16xf32> to vector<16xf32>
      %add3A_433 = arith.addf %get3A_427, %get3A_432 : vector<16xf32>
      %swap3A_434 = arith.constant 3 : i32
      %swap3A_435 = arith.index_cast %swap3A_434 : i32 to index
      %swap3A_436 = arith.constant 0 : index
      %swap3A_437 = tpu.vector_load %arg9[%swap3A_435, %swap3A_436] {strides = array<i32>} : memref<8x128xf32, #tpu.memory_space<vmem>>, vector<1x16xf32>,
      %swap3A_438 = vector.shape_cast %swap3A_437 : vector<1x16xf32> to vector<16xf32>
      %swap3A_439 = vector.shape_cast %add3A_433 : vector<16xf32> to vector<1x16xf32>
      tpu.vector_store %arg9[%swap3A_435, %swap3A_436], %swap3A_439 {strides = array<i32>} : memref<8x128xf32, #tpu.memory_space<vmem>>, vector<1x16xf32>,
      %get3A_440 = arith.constant 3 : i32
      %get3A_441 = arith.index_cast %get3A_440 : i32 to index
      %get3A_442 = arith.constant 16 : index
      %get3A_443 = tpu.vector_load %arg7[%get3A_441, %get3A_442] {strides = array<i32>} : memref<8x128xf32, #tpu.memory_space<vmem>>, vector<1x16xf32>,
      %get3A_444 = vector.shape_cast %get3A_443 : vector<1x16xf32> to vector<16xf32>
      %get3A_445 = arith.constant 3 : i32
      %get3A_446 = arith.index_cast %get3A_445 : i32 to index
      %get3A_447 = arith.constant 16 : index
      %get3A_448 = tpu.vector_load %arg8[%get3A_446, %get3A_447] {strides = array<i32>} : memref<8x128xf32, #tpu.memory_space<vmem>>, vector<1x16xf32>,
      %get3A_449 = vector.shape_cast %get3A_448 : vector<1x16xf32> to vector<16xf32>
      %add3A_450 = arith.addf %get3A_444, %get3A_449 : vector<16xf32>
      %swap3A_451 = arith.constant 3 : i32
      %swap3A_452 = arith.index_cast %swap3A_451 : i32 to index
      %swap3A_453 = arith.constant 16 : index
      %swap3A_454 = tpu.vector_load %arg9[%swap3A_452, %swap3A_453] {strides = array<i32>} : memref<8x128xf32, #tpu.memory_space<vmem>>, vector<1x16xf32>,
      %swap3A_455 = vector.shape_cast %swap3A_454 : vector<1x16xf32> to vector<16xf32>
      %swap3A_456 = vector.shape_cast %add3A_450 : vector<16xf32> to vector<1x16xf32>
      tpu.vector_store %arg9[%swap3A_452, %swap3A_453], %swap3A_456 {strides = array<i32>} : memref<8x128xf32, #tpu.memory_space<vmem>>, vector<1x16xf32>,
      %get3A_457 = arith.constant 3 : i32
      %get3A_458 = arith.index_cast %get3A_457 : i32 to index
      %get3A_459 = arith.constant 32 : index
      %get3A_460 = tpu.vector_load %arg7[%get3A_458, %get3A_459] {strides = array<i32>} : memref<8x128xf32, #tpu.memory_space<vmem>>, vector<1x16xf32>,
      %get3A_461 = vector.shape_cast %get3A_460 : vector<1x16xf32> to vector<16xf32>
      %get3A_462 = arith.constant 3 : i32
      %get3A_463 = arith.index_cast %get3A_462 : i32 to index
      %get3A_464 = arith.constant 32 : index
      %get3A_465 = tpu.vector_load %arg8[%get3A_463, %get3A_464] {strides = array<i32>} : memref<8x128xf32, #tpu.memory_space<vmem>>, vector<1x16xf32>,
      %get3A_466 = vector.shape_cast %get3A_465 : vector<1x16xf32> to vector<16xf32>
      %add3A_467 = arith.addf %get3A_461, %get3A_466 : vector<16xf32>
      %swap3A_468 = arith.constant 3 : i32
      %swap3A_469 = arith.index_cast %swap3A_468 : i32 to index
      %swap3A_470 = arith.constant 32 : index
      %swap3A_471 = tpu.vector_load %arg9[%swap3A_469, %swap3A_470] {strides = array<i32>} : memref<8x128xf32, #tpu.memory_space<vmem>>, vector<1x16xf32>,
      %swap3A_472 = vector.shape_cast %swap3A_471 : vector<1x16xf32> to vector<16xf32>
      %swap3A_473 = vector.shape_cast %add3A_467 : vector<16xf32> to vector<1x16xf32>
      tpu.vector_store %arg9[%swap3A_469, %swap3A_470], %swap3A_473 {strides = array<i32>} : memref<8x128xf32, #tpu.memory_space<vmem>>, vector<1x16xf32>,
      %get3A_474 = arith.constant 3 : i32
      %get3A_475 = arith.index_cast %get3A_474 : i32 to index
      %get3A_476 = arith.constant 48 : index
      %get3A_477 = tpu.vector_load %arg7[%get3A_475, %get3A_476] {strides = array<i32>} : memref<8x128xf32, #tpu.memory_space<vmem>>, vector<1x16xf32>,
      %get3A_478 = vector.shape_cast %get3A_477 : vector<1x16xf32> to vector<16xf32>
      %get3A_479 = arith.constant 3 : i32
      %get3A_480 = arith.index_cast %get3A_479 : i32 to index
      %get3A_481 = arith.constant 48 : index
      %get3A_482 = tpu.vector_load %arg8[%get3A_480, %get3A_481] {strides = array<i32>} : memref<8x128xf32, #tpu.memory_space<vmem>>, vector<1x16xf32>,
      %get3A_483 = vector.shape_cast %get3A_482 : vector<1x16xf32> to vector<16xf32>
      %add3A_484 = arith.addf %get3A_478, %get3A_483 : vector<16xf32>
      %swap3A_485 = arith.constant 3 : i32
      %swap3A_486 = arith.index_cast %swap3A_485 : i32 to index
      %swap3A_487 = arith.constant 48 : index
      %swap3A_488 = tpu.vector_load %arg9[%swap3A_486, %swap3A_487] {strides = array<i32>} : memref<8x128xf32, #tpu.memory_space<vmem>>, vector<1x16xf32>,
      %swap3A_489 = vector.shape_cast %swap3A_488 : vector<1x16xf32> to vector<16xf32>
      %swap3A_490 = vector.shape_cast %add3A_484 : vector<16xf32> to vector<1x16xf32>
      tpu.vector_store %arg9[%swap3A_486, %swap3A_487], %swap3A_490 {strides = array<i32>} : memref<8x128xf32, #tpu.memory_space<vmem>>, vector<1x16xf32>,
      %get3A_491 = arith.constant 3 : i32
      %get3A_492 = arith.index_cast %get3A_491 : i32 to index
      %get3A_493 = arith.constant 64 : index
      %get3A_494 = tpu.vector_load %arg7[%get3A_492, %get3A_493] {strides = array<i32>} : memref<8x128xf32, #tpu.memory_space<vmem>>, vector<1x16xf32>,
      %get3A_495 = vector.shape_cast %get3A_494 : vector<1x16xf32> to vector<16xf32>
      %get3A_496 = arith.constant 3 : i32
      %get3A_497 = arith.index_cast %get3A_496 : i32 to index
      %get3A_498 = arith.constant 64 : index
      %get3A_499 = tpu.vector_load %arg8[%get3A_497, %get3A_498] {strides = array<i32>} : memref<8x128xf32, #tpu.memory_space<vmem>>, vector<1x16xf32>,
      %get3A_500 = vector.shape_cast %get3A_499 : vector<1x16xf32> to vector<16xf32>
      %add3A_501 = arith.addf %get3A_495, %get3A_500 : vector<16xf32>
      %swap3A_502 = arith.constant 3 : i32
      %swap3A_503 = arith.index_cast %swap3A_502 : i32 to index
      %swap3A_504 = arith.constant 64 : index
      %swap3A_505 = tpu.vector_load %arg9[%swap3A_503, %swap3A_504] {strides = array<i32>} : memref<8x128xf32, #tpu.memory_space<vmem>>, vector<1x16xf32>,
      %swap3A_506 = vector.shape_cast %swap3A_505 : vector<1x16xf32> to vector<16xf32>
      %swap3A_507 = vector.shape_cast %add3A_501 : vector<16xf32> to vector<1x16xf32>
      tpu.vector_store %arg9[%swap3A_503, %swap3A_504], %swap3A_507 {strides = array<i32>} : memref<8x128xf32, #tpu.memory_space<vmem>>, vector<1x16xf32>,
      %get3A_508 = arith.constant 3 : i32
      %get3A_509 = arith.index_cast %get3A_508 : i32 to index
      %get3A_510 = arith.constant 80 : index
      %get3A_511 = tpu.vector_load %arg7[%get3A_509, %get3A_510] {strides = array<i32>} : memref<8x128xf32, #tpu.memory_space<vmem>>, vector<1x16xf32>,
      %get3A_512 = vector.shape_cast %get3A_511 : vector<1x16xf32> to vector<16xf32>
      %get3A_513 = arith.constant 3 : i32
      %get3A_514 = arith.index_cast %get3A_513 : i32 to index
      %get3A_515 = arith.constant 80 : index
      %get3A_516 = tpu.vector_load %arg8[%get3A_514, %get3A_515] {strides = array<i32>} : memref<8x128xf32, #tpu.memory_space<vmem>>, vector<1x16xf32>,
      %get3A_517 = vector.shape_cast %get3A_516 : vector<1x16xf32> to vector<16xf32>
      %add3A_518 = arith.addf %get3A_512, %get3A_517 : vector<16xf32>
      %swap3A_519 = arith.constant 3 : i32
      %swap3A_520 = arith.index_cast %swap3A_519 : i32 to index
      %swap3A_521 = arith.constant 80 : index
      %swap3A_522 = tpu.vector_load %arg9[%swap3A_520, %swap3A_521] {strides = array<i32>} : memref<8x128xf32, #tpu.memory_space<vmem>>, vector<1x16xf32>,
      %swap3A_523 = vector.shape_cast %swap3A_522 : vector<1x16xf32> to vector<16xf32>
      %swap3A_524 = vector.shape_cast %add3A_518 : vector<16xf32> to vector<1x16xf32>
      tpu.vector_store %arg9[%swap3A_520, %swap3A_521], %swap3A_524 {strides = array<i32>} : memref<8x128xf32, #tpu.memory_space<vmem>>, vector<1x16xf32>,
      %get3A_525 = arith.constant 3 : i32
      %get3A_526 = arith.index_cast %get3A_525 : i32 to index
      %get3A_527 = arith.constant 96 : index
      %get3A_528 = tpu.vector_load %arg7[%get3A_526, %get3A_527] {strides = array<i32>} : memref<8x128xf32, #tpu.memory_space<vmem>>, vector<1x16xf32>,
      %get3A_529 = vector.shape_cast %get3A_528 : vector<1x16xf32> to vector<16xf32>
      %get3A_530 = arith.constant 3 : i32
      %get3A_531 = arith.index_cast %get3A_530 : i32 to index
      %get3A_532 = arith.constant 96 : index
      %get3A_533 = tpu.vector_load %arg8[%get3A_531, %get3A_532] {strides = array<i32>} : memref<8x128xf32, #tpu.memory_space<vmem>>, vector<1x16xf32>,
      %get3A_534 = vector.shape_cast %get3A_533 : vector<1x16xf32> to vector<16xf32>
      %add3A_535 = arith.addf %get3A_529, %get3A_534 : vector<16xf32>
      %swap3A_536 = arith.constant 3 : i32
      %swap3A_537 = arith.index_cast %swap3A_536 : i32 to index
      %swap3A_538 = arith.constant 96 : index
      %swap3A_539 = tpu.vector_load %arg9[%swap3A_537, %swap3A_538] {strides = array<i32>} : memref<8x128xf32, #tpu.memory_space<vmem>>, vector<1x16xf32>,
      %swap3A_540 = vector.shape_cast %swap3A_539 : vector<1x16xf32> to vector<16xf32>
      %swap3A_541 = vector.shape_cast %add3A_535 : vector<16xf32> to vector<1x16xf32>
      tpu.vector_store %arg9[%swap3A_537, %swap3A_538], %swap3A_541 {strides = array<i32>} : memref<8x128xf32, #tpu.memory_space<vmem>>, vector<1x16xf32>,
      %get3A_542 = arith.constant 3 : i32
      %get3A_543 = arith.index_cast %get3A_542 : i32 to index
      %get3A_544 = arith.constant 112 : index
      %get3A_545 = tpu.vector_load %arg7[%get3A_543, %get3A_544] {strides = array<i32>} : memref<8x128xf32, #tpu.memory_space<vmem>>, vector<1x16xf32>,
      %get3A_546 = vector.shape_cast %get3A_545 : vector<1x16xf32> to vector<16xf32>
      %get3A_547 = arith.constant 3 : i32
      %get3A_548 = arith.index_cast %get3A_547 : i32 to index
      %get3A_549 = arith.constant 112 : index
      %get3A_550 = tpu.vector_load %arg8[%get3A_548, %get3A_549] {strides = array<i32>} : memref<8x128xf32, #tpu.memory_space<vmem>>, vector<1x16xf32>,
      %get3A_551 = vector.shape_cast %get3A_550 : vector<1x16xf32> to vector<16xf32>
      %add3A_552 = arith.addf %get3A_546, %get3A_551 : vector<16xf32>
      %swap3A_553 = arith.constant 3 : i32
      %swap3A_554 = arith.index_cast %swap3A_553 : i32 to index
      %swap3A_555 = arith.constant 112 : index
      %swap3A_556 = tpu.vector_load %arg9[%swap3A_554, %swap3A_555] {strides = array<i32>} : memref<8x128xf32, #tpu.memory_space<vmem>>, vector<1x16xf32>,
      %swap3A_557 = vector.shape_cast %swap3A_556 : vector<1x16xf32> to vector<16xf32>
      %swap3A_558 = vector.shape_cast %add3A_552 : vector<16xf32> to vector<1x16xf32>
      tpu.vector_store %arg9[%swap3A_554, %swap3A_555], %swap3A_558 {strides = array<i32>} : memref<8x128xf32, #tpu.memory_space<vmem>>, vector<1x16xf32>,
      %get3A_559 = arith.constant 4 : i32
      %get3A_560 = arith.index_cast %get3A_559 : i32 to index
      %get3A_561 = arith.constant 0 : index
      %get3A_562 = tpu.vector_load %arg7[%get3A_560, %get3A_561] {strides = array<i32>} : memref<8x128xf32, #tpu.memory_space<vmem>>, vector<1x16xf32>,
      %get3A_563 = vector.shape_cast %get3A_562 : vector<1x16xf32> to vector<16xf32>
      %get3A_564 = arith.constant 4 : i32
      %get3A_565 = arith.index_cast %get3A_564 : i32 to index
      %get3A_566 = arith.constant 0 : index
      %get3A_567 = tpu.vector_load %arg8[%get3A_565, %get3A_566] {strides = array<i32>} : memref<8x128xf32, #tpu.memory_space<vmem>>, vector<1x16xf32>,
      %get3A_568 = vector.shape_cast %get3A_567 : vector<1x16xf32> to vector<16xf32>
      %add3A_569 = arith.addf %get3A_563, %get3A_568 : vector<16xf32>
      %swap3A_570 = arith.constant 4 : i32
      %swap3A_571 = arith.index_cast %swap3A_570 : i32 to index
      %swap3A_572 = arith.constant 0 : index
      %swap3A_573 = tpu.vector_load %arg9[%swap3A_571, %swap3A_572] {strides = array<i32>} : memref<8x128xf32, #tpu.memory_space<vmem>>, vector<1x16xf32>,
      %swap3A_574 = vector.shape_cast %swap3A_573 : vector<1x16xf32> to vector<16xf32>
      %swap3A_575 = vector.shape_cast %add3A_569 : vector<16xf32> to vector<1x16xf32>
      tpu.vector_store %arg9[%swap3A_571, %swap3A_572], %swap3A_575 {strides = array<i32>} : memref<8x128xf32, #tpu.memory_space<vmem>>, vector<1x16xf32>,
      %get3A_576 = arith.constant 4 : i32
      %get3A_577 = arith.index_cast %get3A_576 : i32 to index
      %get3A_578 = arith.constant 16 : index
      %get3A_579 = tpu.vector_load %arg7[%get3A_577, %get3A_578] {strides = array<i32>} : memref<8x128xf32, #tpu.memory_space<vmem>>, vector<1x16xf32>,
      %get3A_580 = vector.shape_cast %get3A_579 : vector<1x16xf32> to vector<16xf32>
      %get3A_581 = arith.constant 4 : i32
      %get3A_582 = arith.index_cast %get3A_581 : i32 to index
      %get3A_583 = arith.constant 16 : index
      %get3A_584 = tpu.vector_load %arg8[%get3A_582, %get3A_583] {strides = array<i32>} : memref<8x128xf32, #tpu.memory_space<vmem>>, vector<1x16xf32>,
      %get3A_585 = vector.shape_cast %get3A_584 : vector<1x16xf32> to vector<16xf32>
      %add3A_586 = arith.addf %get3A_580, %get3A_585 : vector<16xf32>
      %swap3A_587 = arith.constant 4 : i32
      %swap3A_588 = arith.index_cast %swap3A_587 : i32 to index
      %swap3A_589 = arith.constant 16 : index
      %swap3A_590 = tpu.vector_load %arg9[%swap3A_588, %swap3A_589] {strides = array<i32>} : memref<8x128xf32, #tpu.memory_space<vmem>>, vector<1x16xf32>,
      %swap3A_591 = vector.shape_cast %swap3A_590 : vector<1x16xf32> to vector<16xf32>
      %swap3A_592 = vector.shape_cast %add3A_586 : vector<16xf32> to vector<1x16xf32>
      tpu.vector_store %arg9[%swap3A_588, %swap3A_589], %swap3A_592 {strides = array<i32>} : memref<8x128xf32, #tpu.memory_space<vmem>>, vector<1x16xf32>,
      %get3A_593 = arith.constant 4 : i32
      %get3A_594 = arith.index_cast %get3A_593 : i32 to index
      %get3A_595 = arith.constant 32 : index
      %get3A_596 = tpu.vector_load %arg7[%get3A_594, %get3A_595] {strides = array<i32>} : memref<8x128xf32, #tpu.memory_space<vmem>>, vector<1x16xf32>,
      %get3A_597 = vector.shape_cast %get3A_596 : vector<1x16xf32> to vector<16xf32>
      %get3A_598 = arith.constant 4 : i32
      %get3A_599 = arith.index_cast %get3A_598 : i32 to index
      %get3A_600 = arith.constant 32 : index
      %get3A_601 = tpu.vector_load %arg8[%get3A_599, %get3A_600] {strides = array<i32>} : memref<8x128xf32, #tpu.memory_space<vmem>>, vector<1x16xf32>,
      %get3A_602 = vector.shape_cast %get3A_601 : vector<1x16xf32> to vector<16xf32>
      %add3A_603 = arith.addf %get3A_597, %get3A_602 : vector<16xf32>
      %swap3A_604 = arith.constant 4 : i32
      %swap3A_605 = arith.index_cast %swap3A_604 : i32 to index
      %swap3A_606 = arith.constant 32 : index
      %swap3A_607 = tpu.vector_load %arg9[%swap3A_605, %swap3A_606] {strides = array<i32>} : memref<8x128xf32, #tpu.memory_space<vmem>>, vector<1x16xf32>,
      %swap3A_608 = vector.shape_cast %swap3A_607 : vector<1x16xf32> to vector<16xf32>
      %swap3A_609 = vector.shape_cast %add3A_603 : vector<16xf32> to vector<1x16xf32>
      tpu.vector_store %arg9[%swap3A_605, %swap3A_606], %swap3A_609 {strides = array<i32>} : memref<8x128xf32, #tpu.memory_space<vmem>>, vector<1x16xf32>,
      %get3A_610 = arith.constant 4 : i32
      %get3A_611 = arith.index_cast %get3A_610 : i32 to index
      %get3A_612 = arith.constant 48 : index
      %get3A_613 = tpu.vector_load %arg7[%get3A_611, %get3A_612] {strides = array<i32>} : memref<8x128xf32, #tpu.memory_space<vmem>>, vector<1x16xf32>,
      %get3A_614 = vector.shape_cast %get3A_613 : vector<1x16xf32> to vector<16xf32>
      %get3A_615 = arith.constant 4 : i32
      %get3A_616 = arith.index_cast %get3A_615 : i32 to index
      %get3A_617 = arith.constant 48 : index
      %get3A_618 = tpu.vector_load %arg8[%get3A_616, %get3A_617] {strides = array<i32>} : memref<8x128xf32, #tpu.memory_space<vmem>>, vector<1x16xf32>,
      %get3A_619 = vector.shape_cast %get3A_618 : vector<1x16xf32> to vector<16xf32>
      %add3A_620 = arith.addf %get3A_614, %get3A_619 : vector<16xf32>
      %swap3A_621 = arith.constant 4 : i32
      %swap3A_622 = arith.index_cast %swap3A_621 : i32 to index
      %swap3A_623 = arith.constant 48 : index
      %swap3A_624 = tpu.vector_load %arg9[%swap3A_622, %swap3A_623] {strides = array<i32>} : memref<8x128xf32, #tpu.memory_space<vmem>>, vector<1x16xf32>,
      %swap3A_625 = vector.shape_cast %swap3A_624 : vector<1x16xf32> to vector<16xf32>
      %swap3A_626 = vector.shape_cast %add3A_620 : vector<16xf32> to vector<1x16xf32>
      tpu.vector_store %arg9[%swap3A_622, %swap3A_623], %swap3A_626 {strides = array<i32>} : memref<8x128xf32, #tpu.memory_space<vmem>>, vector<1x16xf32>,
      %get3A_627 = arith.constant 4 : i32
      %get3A_628 = arith.index_cast %get3A_627 : i32 to index
      %get3A_629 = arith.constant 64 : index
      %get3A_630 = tpu.vector_load %arg7[%get3A_628, %get3A_629] {strides = array<i32>} : memref<8x128xf32, #tpu.memory_space<vmem>>, vector<1x16xf32>,
      %get3A_631 = vector.shape_cast %get3A_630 : vector<1x16xf32> to vector<16xf32>
      %get3A_632 = arith.constant 4 : i32
      %get3A_633 = arith.index_cast %get3A_632 : i32 to index
      %get3A_634 = arith.constant 64 : index
      %get3A_635 = tpu.vector_load %arg8[%get3A_633, %get3A_634] {strides = array<i32>} : memref<8x128xf32, #tpu.memory_space<vmem>>, vector<1x16xf32>,
      %get3A_636 = vector.shape_cast %get3A_635 : vector<1x16xf32> to vector<16xf32>
      %add3A_637 = arith.addf %get3A_631, %get3A_636 : vector<16xf32>
      %swap3A_638 = arith.constant 4 : i32
      %swap3A_639 = arith.index_cast %swap3A_638 : i32 to index
      %swap3A_640 = arith.constant 64 : index
      %swap3A_641 = tpu.vector_load %arg9[%swap3A_639, %swap3A_640] {strides = array<i32>} : memref<8x128xf32, #tpu.memory_space<vmem>>, vector<1x16xf32>,
      %swap3A_642 = vector.shape_cast %swap3A_641 : vector<1x16xf32> to vector<16xf32>
      %swap3A_643 = vector.shape_cast %add3A_637 : vector<16xf32> to vector<1x16xf32>
      tpu.vector_store %arg9[%swap3A_639, %swap3A_640], %swap3A_643 {strides = array<i32>} : memref<8x128xf32, #tpu.memory_space<vmem>>, vector<1x16xf32>,
      %get3A_644 = arith.constant 4 : i32
      %get3A_645 = arith.index_cast %get3A_644 : i32 to index
      %get3A_646 = arith.constant 80 : index
      %get3A_647 = tpu.vector_load %arg7[%get3A_645, %get3A_646] {strides = array<i32>} : memref<8x128xf32, #tpu.memory_space<vmem>>, vector<1x16xf32>,
      %get3A_648 = vector.shape_cast %get3A_647 : vector<1x16xf32> to vector<16xf32>
      %get3A_649 = arith.constant 4 : i32
      %get3A_650 = arith.index_cast %get3A_649 : i32 to index
      %get3A_651 = arith.constant 80 : index
      %get3A_652 = tpu.vector_load %arg8[%get3A_650, %get3A_651] {strides = array<i32>} : memref<8x128xf32, #tpu.memory_space<vmem>>, vector<1x16xf32>,
      %get3A_653 = vector.shape_cast %get3A_652 : vector<1x16xf32> to vector<16xf32>
      %add3A_654 = arith.addf %get3A_648, %get3A_653 : vector<16xf32>
      %swap3A_655 = arith.constant 4 : i32
      %swap3A_656 = arith.index_cast %swap3A_655 : i32 to index
      %swap3A_657 = arith.constant 80 : index
      %swap3A_658 = tpu.vector_load %arg9[%swap3A_656, %swap3A_657] {strides = array<i32>} : memref<8x128xf32, #tpu.memory_space<vmem>>, vector<1x16xf32>,
      %swap3A_659 = vector.shape_cast %swap3A_658 : vector<1x16xf32> to vector<16xf32>
      %swap3A_660 = vector.shape_cast %add3A_654 : vector<16xf32> to vector<1x16xf32>
      tpu.vector_store %arg9[%swap3A_656, %swap3A_657], %swap3A_660 {strides = array<i32>} : memref<8x128xf32, #tpu.memory_space<vmem>>, vector<1x16xf32>,
      %get3A_661 = arith.constant 4 : i32
      %get3A_662 = arith.index_cast %get3A_661 : i32 to index
      %get3A_663 = arith.constant 96 : index
      %get3A_664 = tpu.vector_load %arg7[%get3A_662, %get3A_663] {strides = array<i32>} : memref<8x128xf32, #tpu.memory_space<vmem>>, vector<1x16xf32>,
      %get3A_665 = vector.shape_cast %get3A_664 : vector<1x16xf32> to vector<16xf32>
      %get3A_666 = arith.constant 4 : i32
      %get3A_667 = arith.index_cast %get3A_666 : i32 to index
      %get3A_668 = arith.constant 96 : index
      %get3A_669 = tpu.vector_load %arg8[%get3A_667, %get3A_668] {strides = array<i32>} : memref<8x128xf32, #tpu.memory_space<vmem>>, vector<1x16xf32>,
      %get3A_670 = vector.shape_cast %get3A_669 : vector<1x16xf32> to vector<16xf32>
      %add3A_671 = arith.addf %get3A_665, %get3A_670 : vector<16xf32>
      %swap3A_672 = arith.constant 4 : i32
      %swap3A_673 = arith.index_cast %swap3A_672 : i32 to index
      %swap3A_674 = arith.constant 96 : index
      %swap3A_675 = tpu.vector_load %arg9[%swap3A_673, %swap3A_674] {strides = array<i32>} : memref<8x128xf32, #tpu.memory_space<vmem>>, vector<1x16xf32>,
      %swap3A_676 = vector.shape_cast %swap3A_675 : vector<1x16xf32> to vector<16xf32>
      %swap3A_677 = vector.shape_cast %add3A_671 : vector<16xf32> to vector<1x16xf32>
      tpu.vector_store %arg9[%swap3A_673, %swap3A_674], %swap3A_677 {strides = array<i32>} : memref<8x128xf32, #tpu.memory_space<vmem>>, vector<1x16xf32>,
      %get3A_678 = arith.constant 4 : i32
      %get3A_679 = arith.index_cast %get3A_678 : i32 to index
      %get3A_680 = arith.constant 112 : index
      %get3A_681 = tpu.vector_load %arg7[%get3A_679, %get3A_680] {strides = array<i32>} : memref<8x128xf32, #tpu.memory_space<vmem>>, vector<1x16xf32>,
      %get3A_682 = vector.shape_cast %get3A_681 : vector<1x16xf32> to vector<16xf32>
      %get3A_683 = arith.constant 4 : i32
      %get3A_684 = arith.index_cast %get3A_683 : i32 to index
      %get3A_685 = arith.constant 112 : index
      %get3A_686 = tpu.vector_load %arg8[%get3A_684, %get3A_685] {strides = array<i32>} : memref<8x128xf32, #tpu.memory_space<vmem>>, vector<1x16xf32>,
      %get3A_687 = vector.shape_cast %get3A_686 : vector<1x16xf32> to vector<16xf32>
      %add3A_688 = arith.addf %get3A_682, %get3A_687 : vector<16xf32>
      %swap3A_689 = arith.constant 4 : i32
      %swap3A_690 = arith.index_cast %swap3A_689 : i32 to index
      %swap3A_691 = arith.constant 112 : index
      %swap3A_692 = tpu.vector_load %arg9[%swap3A_690, %swap3A_691] {strides = array<i32>} : memref<8x128xf32, #tpu.memory_space<vmem>>, vector<1x16xf32>,
      %swap3A_693 = vector.shape_cast %swap3A_692 : vector<1x16xf32> to vector<16xf32>
      %swap3A_694 = vector.shape_cast %add3A_688 : vector<16xf32> to vector<1x16xf32>
      tpu.vector_store %arg9[%swap3A_690, %swap3A_691], %swap3A_694 {strides = array<i32>} : memref<8x128xf32, #tpu.memory_space<vmem>>, vector<1x16xf32>,
      %get3A_695 = arith.constant 5 : i32
      %get3A_696 = arith.index_cast %get3A_695 : i32 to index
      %get3A_697 = arith.constant 0 : index
      %get3A_698 = tpu.vector_load %arg7[%get3A_696, %get3A_697] {strides = array<i32>} : memref<8x128xf32, #tpu.memory_space<vmem>>, vector<1x16xf32>,
      %get3A_699 = vector.shape_cast %get3A_698 : vector<1x16xf32> to vector<16xf32>
      %get3A_700 = arith.constant 5 : i32
      %get3A_701 = arith.index_cast %get3A_700 : i32 to index
      %get3A_702 = arith.constant 0 : index
      %get3A_703 = tpu.vector_load %arg8[%get3A_701, %get3A_702] {strides = array<i32>} : memref<8x128xf32, #tpu.memory_space<vmem>>, vector<1x16xf32>,
      %get3A_704 = vector.shape_cast %get3A_703 : vector<1x16xf32> to vector<16xf32>
      %add3A_705 = arith.addf %get3A_699, %get3A_704 : vector<16xf32>
      %swap3A_706 = arith.constant 5 : i32
      %swap3A_707 = arith.index_cast %swap3A_706 : i32 to index
      %swap3A_708 = arith.constant 0 : index
      %swap3A_709 = tpu.vector_load %arg9[%swap3A_707, %swap3A_708] {strides = array<i32>} : memref<8x128xf32, #tpu.memory_space<vmem>>, vector<1x16xf32>,
      %swap3A_710 = vector.shape_cast %swap3A_709 : vector<1x16xf32> to vector<16xf32>
      %swap3A_711 = vector.shape_cast %add3A_705 : vector<16xf32> to vector<1x16xf32>
      tpu.vector_store %arg9[%swap3A_707, %swap3A_708], %swap3A_711 {strides = array<i32>} : memref<8x128xf32, #tpu.memory_space<vmem>>, vector<1x16xf32>,
      %get3A_712 = arith.constant 5 : i32
      %get3A_713 = arith.index_cast %get3A_712 : i32 to index
      %get3A_714 = arith.constant 16 : index
      %get3A_715 = tpu.vector_load %arg7[%get3A_713, %get3A_714] {strides = array<i32>} : memref<8x128xf32, #tpu.memory_space<vmem>>, vector<1x16xf32>,
      %get3A_716 = vector.shape_cast %get3A_715 : vector<1x16xf32> to vector<16xf32>
      %get3A_717 = arith.constant 5 : i32
      %get3A_718 = arith.index_cast %get3A_717 : i32 to index
      %get3A_719 = arith.constant 16 : index
      %get3A_720 = tpu.vector_load %arg8[%get3A_718, %get3A_719] {strides = array<i32>} : memref<8x128xf32, #tpu.memory_space<vmem>>, vector<1x16xf32>,
      %get3A_721 = vector.shape_cast %get3A_720 : vector<1x16xf32> to vector<16xf32>
      %add3A_722 = arith.addf %get3A_716, %get3A_721 : vector<16xf32>
      %swap3A_723 = arith.constant 5 : i32
      %swap3A_724 = arith.index_cast %swap3A_723 : i32 to index
      %swap3A_725 = arith.constant 16 : index
      %swap3A_726 = tpu.vector_load %arg9[%swap3A_724, %swap3A_725] {strides = array<i32>} : memref<8x128xf32, #tpu.memory_space<vmem>>, vector<1x16xf32>,
      %swap3A_727 = vector.shape_cast %swap3A_726 : vector<1x16xf32> to vector<16xf32>
      %swap3A_728 = vector.shape_cast %add3A_722 : vector<16xf32> to vector<1x16xf32>
      tpu.vector_store %arg9[%swap3A_724, %swap3A_725], %swap3A_728 {strides = array<i32>} : memref<8x128xf32, #tpu.memory_space<vmem>>, vector<1x16xf32>,
      %get3A_729 = arith.constant 5 : i32
      %get3A_730 = arith.index_cast %get3A_729 : i32 to index
      %get3A_731 = arith.constant 32 : index
      %get3A_732 = tpu.vector_load %arg7[%get3A_730, %get3A_731] {strides = array<i32>} : memref<8x128xf32, #tpu.memory_space<vmem>>, vector<1x16xf32>,
      %get3A_733 = vector.shape_cast %get3A_732 : vector<1x16xf32> to vector<16xf32>
      %get3A_734 = arith.constant 5 : i32
      %get3A_735 = arith.index_cast %get3A_734 : i32 to index
      %get3A_736 = arith.constant 32 : index
      %get3A_737 = tpu.vector_load %arg8[%get3A_735, %get3A_736] {strides = array<i32>} : memref<8x128xf32, #tpu.memory_space<vmem>>, vector<1x16xf32>,
      %get3A_738 = vector.shape_cast %get3A_737 : vector<1x16xf32> to vector<16xf32>
      %add3A_739 = arith.addf %get3A_733, %get3A_738 : vector<16xf32>
      %swap3A_740 = arith.constant 5 : i32
      %swap3A_741 = arith.index_cast %swap3A_740 : i32 to index
      %swap3A_742 = arith.constant 32 : index
      %swap3A_743 = tpu.vector_load %arg9[%swap3A_741, %swap3A_742] {strides = array<i32>} : memref<8x128xf32, #tpu.memory_space<vmem>>, vector<1x16xf32>,
      %swap3A_744 = vector.shape_cast %swap3A_743 : vector<1x16xf32> to vector<16xf32>
      %swap3A_745 = vector.shape_cast %add3A_739 : vector<16xf32> to vector<1x16xf32>
      tpu.vector_store %arg9[%swap3A_741, %swap3A_742], %swap3A_745 {strides = array<i32>} : memref<8x128xf32, #tpu.memory_space<vmem>>, vector<1x16xf32>,
      %get3A_746 = arith.constant 5 : i32
      %get3A_747 = arith.index_cast %get3A_746 : i32 to index
      %get3A_748 = arith.constant 48 : index
      %get3A_749 = tpu.vector_load %arg7[%get3A_747, %get3A_748] {strides = array<i32>} : memref<8x128xf32, #tpu.memory_space<vmem>>, vector<1x16xf32>,
      %get3A_750 = vector.shape_cast %get3A_749 : vector<1x16xf32> to vector<16xf32>
      %get3A_751 = arith.constant 5 : i32
      %get3A_752 = arith.index_cast %get3A_751 : i32 to index
      %get3A_753 = arith.constant 48 : index
      %get3A_754 = tpu.vector_load %arg8[%get3A_752, %get3A_753] {strides = array<i32>} : memref<8x128xf32, #tpu.memory_space<vmem>>, vector<1x16xf32>,
      %get3A_755 = vector.shape_cast %get3A_754 : vector<1x16xf32> to vector<16xf32>
      %add3A_756 = arith.addf %get3A_750, %get3A_755 : vector<16xf32>
      %swap3A_757 = arith.constant 5 : i32
      %swap3A_758 = arith.index_cast %swap3A_757 : i32 to index
      %swap3A_759 = arith.constant 48 : index
      %swap3A_760 = tpu.vector_load %arg9[%swap3A_758, %swap3A_759] {strides = array<i32>} : memref<8x128xf32, #tpu.memory_space<vmem>>, vector<1x16xf32>,
      %swap3A_761 = vector.shape_cast %swap3A_760 : vector<1x16xf32> to vector<16xf32>
      %swap3A_762 = vector.shape_cast %add3A_756 : vector<16xf32> to vector<1x16xf32>
      tpu.vector_store %arg9[%swap3A_758, %swap3A_759], %swap3A_762 {strides = array<i32>} : memref<8x128xf32, #tpu.memory_space<vmem>>, vector<1x16xf32>,
      %get3A_763 = arith.constant 5 : i32
      %get3A_764 = arith.index_cast %get3A_763 : i32 to index
      %get3A_765 = arith.constant 64 : index
      %get3A_766 = tpu.vector_load %arg7[%get3A_764, %get3A_765] {strides = array<i32>} : memref<8x128xf32, #tpu.memory_space<vmem>>, vector<1x16xf32>,
      %get3A_767 = vector.shape_cast %get3A_766 : vector<1x16xf32> to vector<16xf32>
      %get3A_768 = arith.constant 5 : i32
      %get3A_769 = arith.index_cast %get3A_768 : i32 to index
      %get3A_770 = arith.constant 64 : index
      %get3A_771 = tpu.vector_load %arg8[%get3A_769, %get3A_770] {strides = array<i32>} : memref<8x128xf32, #tpu.memory_space<vmem>>, vector<1x16xf32>,
      %get3A_772 = vector.shape_cast %get3A_771 : vector<1x16xf32> to vector<16xf32>
      %add3A_773 = arith.addf %get3A_767, %get3A_772 : vector<16xf32>
      %swap3A_774 = arith.constant 5 : i32
      %swap3A_775 = arith.index_cast %swap3A_774 : i32 to index
      %swap3A_776 = arith.constant 64 : index
      %swap3A_777 = tpu.vector_load %arg9[%swap3A_775, %swap3A_776] {strides = array<i32>} : memref<8x128xf32, #tpu.memory_space<vmem>>, vector<1x16xf32>,
      %swap3A_778 = vector.shape_cast %swap3A_777 : vector<1x16xf32> to vector<16xf32>
      %swap3A_779 = vector.shape_cast %add3A_773 : vector<16xf32> to vector<1x16xf32>
      tpu.vector_store %arg9[%swap3A_775, %swap3A_776], %swap3A_779 {strides = array<i32>} : memref<8x128xf32, #tpu.memory_space<vmem>>, vector<1x16xf32>,
      %get3A_780 = arith.constant 5 : i32
      %get3A_781 = arith.index_cast %get3A_780 : i32 to index
      %get3A_782 = arith.constant 80 : index
      %get3A_783 = tpu.vector_load %arg7[%get3A_781, %get3A_782] {strides = array<i32>} : memref<8x128xf32, #tpu.memory_space<vmem>>, vector<1x16xf32>,
      %get3A_784 = vector.shape_cast %get3A_783 : vector<1x16xf32> to vector<16xf32>
      %get3A_785 = arith.constant 5 : i32
      %get3A_786 = arith.index_cast %get3A_785 : i32 to index
      %get3A_787 = arith.constant 80 : index
      %get3A_788 = tpu.vector_load %arg8[%get3A_786, %get3A_787] {strides = array<i32>} : memref<8x128xf32, #tpu.memory_space<vmem>>, vector<1x16xf32>,
      %get3A_789 = vector.shape_cast %get3A_788 : vector<1x16xf32> to vector<16xf32>
      %add3A_790 = arith.addf %get3A_784, %get3A_789 : vector<16xf32>
      %swap3A_791 = arith.constant 5 : i32
      %swap3A_792 = arith.index_cast %swap3A_791 : i32 to index
      %swap3A_793 = arith.constant 80 : index
      %swap3A_794 = tpu.vector_load %arg9[%swap3A_792, %swap3A_793] {strides = array<i32>} : memref<8x128xf32, #tpu.memory_space<vmem>>, vector<1x16xf32>,
      %swap3A_795 = vector.shape_cast %swap3A_794 : vector<1x16xf32> to vector<16xf32>
      %swap3A_796 = vector.shape_cast %add3A_790 : vector<16xf32> to vector<1x16xf32>
      tpu.vector_store %arg9[%swap3A_792, %swap3A_793], %swap3A_796 {strides = array<i32>} : memref<8x128xf32, #tpu.memory_space<vmem>>, vector<1x16xf32>,
      %get3A_797 = arith.constant 5 : i32
      %get3A_798 = arith.index_cast %get3A_797 : i32 to index
      %get3A_799 = arith.constant 96 : index
      %get3A_800 = tpu.vector_load %arg7[%get3A_798, %get3A_799] {strides = array<i32>} : memref<8x128xf32, #tpu.memory_space<vmem>>, vector<1x16xf32>,
      %get3A_801 = vector.shape_cast %get3A_800 : vector<1x16xf32> to vector<16xf32>
      %get3A_802 = arith.constant 5 : i32
      %get3A_803 = arith.index_cast %get3A_802 : i32 to index
      %get3A_804 = arith.constant 96 : index
      %get3A_805 = tpu.vector_load %arg8[%get3A_803, %get3A_804] {strides = array<i32>} : memref<8x128xf32, #tpu.memory_space<vmem>>, vector<1x16xf32>,
      %get3A_806 = vector.shape_cast %get3A_805 : vector<1x16xf32> to vector<16xf32>
      %add3A_807 = arith.addf %get3A_801, %get3A_806 : vector<16xf32>
      %swap3A_808 = arith.constant 5 : i32
      %swap3A_809 = arith.index_cast %swap3A_808 : i32 to index
      %swap3A_810 = arith.constant 96 : index
      %swap3A_811 = tpu.vector_load %arg9[%swap3A_809, %swap3A_810] {strides = array<i32>} : memref<8x128xf32, #tpu.memory_space<vmem>>, vector<1x16xf32>,
      %swap3A_812 = vector.shape_cast %swap3A_811 : vector<1x16xf32> to vector<16xf32>
      %swap3A_813 = vector.shape_cast %add3A_807 : vector<16xf32> to vector<1x16xf32>
      tpu.vector_store %arg9[%swap3A_809, %swap3A_810], %swap3A_813 {strides = array<i32>} : memref<8x128xf32, #tpu.memory_space<vmem>>, vector<1x16xf32>,
      %get3A_814 = arith.constant 5 : i32
      %get3A_815 = arith.index_cast %get3A_814 : i32 to index
      %get3A_816 = arith.constant 112 : index
      %get3A_817 = tpu.vector_load %arg7[%get3A_815, %get3A_816] {strides = array<i32>} : memref<8x128xf32, #tpu.memory_space<vmem>>, vector<1x16xf32>,
      %get3A_818 = vector.shape_cast %get3A_817 : vector<1x16xf32> to vector<16xf32>
      %get3A_819 = arith.constant 5 : i32
      %get3A_820 = arith.index_cast %get3A_819 : i32 to index
      %get3A_821 = arith.constant 112 : index
      %get3A_822 = tpu.vector_load %arg8[%get3A_820, %get3A_821] {strides = array<i32>} : memref<8x128xf32, #tpu.memory_space<vmem>>, vector<1x16xf32>,
      %get3A_823 = vector.shape_cast %get3A_822 : vector<1x16xf32> to vector<16xf32>
      %add3A_824 = arith.addf %get3A_818, %get3A_823 : vector<16xf32>
      %swap3A_825 = arith.constant 5 : i32
      %swap3A_826 = arith.index_cast %swap3A_825 : i32 to index
      %swap3A_827 = arith.constant 112 : index
      %swap3A_828 = tpu.vector_load %arg9[%swap3A_826, %swap3A_827] {strides = array<i32>} : memref<8x128xf32, #tpu.memory_space<vmem>>, vector<1x16xf32>,
      %swap3A_829 = vector.shape_cast %swap3A_828 : vector<1x16xf32> to vector<16xf32>
      %swap3A_830 = vector.shape_cast %add3A_824 : vector<16xf32> to vector<1x16xf32>
      tpu.vector_store %arg9[%swap3A_826, %swap3A_827], %swap3A_830 {strides = array<i32>} : memref<8x128xf32, #tpu.memory_space<vmem>>, vector<1x16xf32>,
      %get3A_831 = arith.constant 6 : i32
      %get3A_832 = arith.index_cast %get3A_831 : i32 to index
      %get3A_833 = arith.constant 0 : index
      %get3A_834 = tpu.vector_load %arg7[%get3A_832, %get3A_833] {strides = array<i32>} : memref<8x128xf32, #tpu.memory_space<vmem>>, vector<1x16xf32>,
      %get3A_835 = vector.shape_cast %get3A_834 : vector<1x16xf32> to vector<16xf32>
      %get3A_836 = arith.constant 6 : i32
      %get3A_837 = arith.index_cast %get3A_836 : i32 to index
      %get3A_838 = arith.constant 0 : index
      %get3A_839 = tpu.vector_load %arg8[%get3A_837, %get3A_838] {strides = array<i32>} : memref<8x128xf32, #tpu.memory_space<vmem>>, vector<1x16xf32>,
      %get3A_840 = vector.shape_cast %get3A_839 : vector<1x16xf32> to vector<16xf32>
      %add3A_841 = arith.addf %get3A_835, %get3A_840 : vector<16xf32>
      %swap3A_842 = arith.constant 6 : i32
      %swap3A_843 = arith.index_cast %swap3A_842 : i32 to index
      %swap3A_844 = arith.constant 0 : index
      %swap3A_845 = tpu.vector_load %arg9[%swap3A_843, %swap3A_844] {strides = array<i32>} : memref<8x128xf32, #tpu.memory_space<vmem>>, vector<1x16xf32>,
      %swap3A_846 = vector.shape_cast %swap3A_845 : vector<1x16xf32> to vector<16xf32>
      %swap3A_847 = vector.shape_cast %add3A_841 : vector<16xf32> to vector<1x16xf32>
      tpu.vector_store %arg9[%swap3A_843, %swap3A_844], %swap3A_847 {strides = array<i32>} : memref<8x128xf32, #tpu.memory_space<vmem>>, vector<1x16xf32>,
      %get3A_848 = arith.constant 6 : i32
      %get3A_849 = arith.index_cast %get3A_848 : i32 to index
      %get3A_850 = arith.constant 16 : index
      %get3A_851 = tpu.vector_load %arg7[%get3A_849, %get3A_850] {strides = array<i32>} : memref<8x128xf32, #tpu.memory_space<vmem>>, vector<1x16xf32>,
      %get3A_852 = vector.shape_cast %get3A_851 : vector<1x16xf32> to vector<16xf32>
      %get3A_853 = arith.constant 6 : i32
      %get3A_854 = arith.index_cast %get3A_853 : i32 to index
      %get3A_855 = arith.constant 16 : index
      %get3A_856 = tpu.vector_load %arg8[%get3A_854, %get3A_855] {strides = array<i32>} : memref<8x128xf32, #tpu.memory_space<vmem>>, vector<1x16xf32>,
      %get3A_857 = vector.shape_cast %get3A_856 : vector<1x16xf32> to vector<16xf32>
      %add3A_858 = arith.addf %get3A_852, %get3A_857 : vector<16xf32>
      %swap3A_859 = arith.constant 6 : i32
      %swap3A_860 = arith.index_cast %swap3A_859 : i32 to index
      %swap3A_861 = arith.constant 16 : index
      %swap3A_862 = tpu.vector_load %arg9[%swap3A_860, %swap3A_861] {strides = array<i32>} : memref<8x128xf32, #tpu.memory_space<vmem>>, vector<1x16xf32>,
      %swap3A_863 = vector.shape_cast %swap3A_862 : vector<1x16xf32> to vector<16xf32>
      %swap3A_864 = vector.shape_cast %add3A_858 : vector<16xf32> to vector<1x16xf32>
      tpu.vector_store %arg9[%swap3A_860, %swap3A_861], %swap3A_864 {strides = array<i32>} : memref<8x128xf32, #tpu.memory_space<vmem>>, vector<1x16xf32>,
      %get3A_865 = arith.constant 6 : i32
      %get3A_866 = arith.index_cast %get3A_865 : i32 to index
      %get3A_867 = arith.constant 32 : index
      %get3A_868 = tpu.vector_load %arg7[%get3A_866, %get3A_867] {strides = array<i32>} : memref<8x128xf32, #tpu.memory_space<vmem>>, vector<1x16xf32>,
      %get3A_869 = vector.shape_cast %get3A_868 : vector<1x16xf32> to vector<16xf32>
      %get3A_870 = arith.constant 6 : i32
      %get3A_871 = arith.index_cast %get3A_870 : i32 to index
      %get3A_872 = arith.constant 32 : index
      %get3A_873 = tpu.vector_load %arg8[%get3A_871, %get3A_872] {strides = array<i32>} : memref<8x128xf32, #tpu.memory_space<vmem>>, vector<1x16xf32>,
      %get3A_874 = vector.shape_cast %get3A_873 : vector<1x16xf32> to vector<16xf32>
      %add3A_875 = arith.addf %get3A_869, %get3A_874 : vector<16xf32>
      %swap3A_876 = arith.constant 6 : i32
      %swap3A_877 = arith.index_cast %swap3A_876 : i32 to index
      %swap3A_878 = arith.constant 32 : index
      %swap3A_879 = tpu.vector_load %arg9[%swap3A_877, %swap3A_878] {strides = array<i32>} : memref<8x128xf32, #tpu.memory_space<vmem>>, vector<1x16xf32>,
      %swap3A_880 = vector.shape_cast %swap3A_879 : vector<1x16xf32> to vector<16xf32>
      %swap3A_881 = vector.shape_cast %add3A_875 : vector<16xf32> to vector<1x16xf32>
      tpu.vector_store %arg9[%swap3A_877, %swap3A_878], %swap3A_881 {strides = array<i32>} : memref<8x128xf32, #tpu.memory_space<vmem>>, vector<1x16xf32>,
      %get3A_882 = arith.constant 6 : i32
      %get3A_883 = arith.index_cast %get3A_882 : i32 to index
      %get3A_884 = arith.constant 48 : index
      %get3A_885 = tpu.vector_load %arg7[%get3A_883, %get3A_884] {strides = array<i32>} : memref<8x128xf32, #tpu.memory_space<vmem>>, vector<1x16xf32>,
      %get3A_886 = vector.shape_cast %get3A_885 : vector<1x16xf32> to vector<16xf32>
      %get3A_887 = arith.constant 6 : i32
      %get3A_888 = arith.index_cast %get3A_887 : i32 to index
      %get3A_889 = arith.constant 48 : index
      %get3A_890 = tpu.vector_load %arg8[%get3A_888, %get3A_889] {strides = array<i32>} : memref<8x128xf32, #tpu.memory_space<vmem>>, vector<1x16xf32>,
      %get3A_891 = vector.shape_cast %get3A_890 : vector<1x16xf32> to vector<16xf32>
      %add3A_892 = arith.addf %get3A_886, %get3A_891 : vector<16xf32>
      %swap3A_893 = arith.constant 6 : i32
      %swap3A_894 = arith.index_cast %swap3A_893 : i32 to index
      %swap3A_895 = arith.constant 48 : index
      %swap3A_896 = tpu.vector_load %arg9[%swap3A_894, %swap3A_895] {strides = array<i32>} : memref<8x128xf32, #tpu.memory_space<vmem>>, vector<1x16xf32>,
      %swap3A_897 = vector.shape_cast %swap3A_896 : vector<1x16xf32> to vector<16xf32>
      %swap3A_898 = vector.shape_cast %add3A_892 : vector<16xf32> to vector<1x16xf32>
      tpu.vector_store %arg9[%swap3A_894, %swap3A_895], %swap3A_898 {strides = array<i32>} : memref<8x128xf32, #tpu.memory_space<vmem>>, vector<1x16xf32>,
      %get3A_899 = arith.constant 6 : i32
      %get3A_900 = arith.index_cast %get3A_899 : i32 to index
      %get3A_901 = arith.constant 64 : index
      %get3A_902 = tpu.vector_load %arg7[%get3A_900, %get3A_901] {strides = array<i32>} : memref<8x128xf32, #tpu.memory_space<vmem>>, vector<1x16xf32>,
      %get3A_903 = vector.shape_cast %get3A_902 : vector<1x16xf32> to vector<16xf32>
      %get3A_904 = arith.constant 6 : i32
      %get3A_905 = arith.index_cast %get3A_904 : i32 to index
      %get3A_906 = arith.constant 64 : index
      %get3A_907 = tpu.vector_load %arg8[%get3A_905, %get3A_906] {strides = array<i32>} : memref<8x128xf32, #tpu.memory_space<vmem>>, vector<1x16xf32>,
      %get3A_908 = vector.shape_cast %get3A_907 : vector<1x16xf32> to vector<16xf32>
      %add3A_909 = arith.addf %get3A_903, %get3A_908 : vector<16xf32>
      %swap3A_910 = arith.constant 6 : i32
      %swap3A_911 = arith.index_cast %swap3A_910 : i32 to index
      %swap3A_912 = arith.constant 64 : index
      %swap3A_913 = tpu.vector_load %arg9[%swap3A_911, %swap3A_912] {strides = array<i32>} : memref<8x128xf32, #tpu.memory_space<vmem>>, vector<1x16xf32>,
      %swap3A_914 = vector.shape_cast %swap3A_913 : vector<1x16xf32> to vector<16xf32>
      %swap3A_915 = vector.shape_cast %add3A_909 : vector<16xf32> to vector<1x16xf32>
      tpu.vector_store %arg9[%swap3A_911, %swap3A_912], %swap3A_915 {strides = array<i32>} : memref<8x128xf32, #tpu.memory_space<vmem>>, vector<1x16xf32>,
      %get3A_916 = arith.constant 6 : i32
      %get3A_917 = arith.index_cast %get3A_916 : i32 to index
      %get3A_918 = arith.constant 80 : index
      %get3A_919 = tpu.vector_load %arg7[%get3A_917, %get3A_918] {strides = array<i32>} : memref<8x128xf32, #tpu.memory_space<vmem>>, vector<1x16xf32>,
      %get3A_920 = vector.shape_cast %get3A_919 : vector<1x16xf32> to vector<16xf32>
      %get3A_921 = arith.constant 6 : i32
      %get3A_922 = arith.index_cast %get3A_921 : i32 to index
      %get3A_923 = arith.constant 80 : index
      %get3A_924 = tpu.vector_load %arg8[%get3A_922, %get3A_923] {strides = array<i32>} : memref<8x128xf32, #tpu.memory_space<vmem>>, vector<1x16xf32>,
      %get3A_925 = vector.shape_cast %get3A_924 : vector<1x16xf32> to vector<16xf32>
      %add3A_926 = arith.addf %get3A_920, %get3A_925 : vector<16xf32>
      %swap3A_927 = arith.constant 6 : i32
      %swap3A_928 = arith.index_cast %swap3A_927 : i32 to index
      %swap3A_929 = arith.constant 80 : index
      %swap3A_930 = tpu.vector_load %arg9[%swap3A_928, %swap3A_929] {strides = array<i32>} : memref<8x128xf32, #tpu.memory_space<vmem>>, vector<1x16xf32>,
      %swap3A_931 = vector.shape_cast %swap3A_930 : vector<1x16xf32> to vector<16xf32>
      %swap3A_932 = vector.shape_cast %add3A_926 : vector<16xf32> to vector<1x16xf32>
      tpu.vector_store %arg9[%swap3A_928, %swap3A_929], %swap3A_932 {strides = array<i32>} : memref<8x128xf32, #tpu.memory_space<vmem>>, vector<1x16xf32>,
      %get3A_933 = arith.constant 6 : i32
      %get3A_934 = arith.index_cast %get3A_933 : i32 to index
      %get3A_935 = arith.constant 96 : index
      %get3A_936 = tpu.vector_load %arg7[%get3A_934, %get3A_935] {strides = array<i32>} : memref<8x128xf32, #tpu.memory_space<vmem>>, vector<1x16xf32>,
      %get3A_937 = vector.shape_cast %get3A_936 : vector<1x16xf32> to vector<16xf32>
      %get3A_938 = arith.constant 6 : i32
      %get3A_939 = arith.index_cast %get3A_938 : i32 to index
      %get3A_940 = arith.constant 96 : index
      %get3A_941 = tpu.vector_load %arg8[%get3A_939, %get3A_940] {strides = array<i32>} : memref<8x128xf32, #tpu.memory_space<vmem>>, vector<1x16xf32>,
      %get3A_942 = vector.shape_cast %get3A_941 : vector<1x16xf32> to vector<16xf32>
      %add3A_943 = arith.addf %get3A_937, %get3A_942 : vector<16xf32>
      %swap3A_944 = arith.constant 6 : i32
      %swap3A_945 = arith.index_cast %swap3A_944 : i32 to index
      %swap3A_946 = arith.constant 96 : index
      %swap3A_947 = tpu.vector_load %arg9[%swap3A_945, %swap3A_946] {strides = array<i32>} : memref<8x128xf32, #tpu.memory_space<vmem>>, vector<1x16xf32>,
      %swap3A_948 = vector.shape_cast %swap3A_947 : vector<1x16xf32> to vector<16xf32>
      %swap3A_949 = vector.shape_cast %add3A_943 : vector<16xf32> to vector<1x16xf32>
      tpu.vector_store %arg9[%swap3A_945, %swap3A_946], %swap3A_949 {strides = array<i32>} : memref<8x128xf32, #tpu.memory_space<vmem>>, vector<1x16xf32>,
      %get3A_950 = arith.constant 6 : i32
      %get3A_951 = arith.index_cast %get3A_950 : i32 to index
      %get3A_952 = arith.constant 112 : index
      %get3A_953 = tpu.vector_load %arg7[%get3A_951, %get3A_952] {strides = array<i32>} : memref<8x128xf32, #tpu.memory_space<vmem>>, vector<1x16xf32>,
      %get3A_954 = vector.shape_cast %get3A_953 : vector<1x16xf32> to vector<16xf32>
      %get3A_955 = arith.constant 6 : i32
      %get3A_956 = arith.index_cast %get3A_955 : i32 to index
      %get3A_957 = arith.constant 112 : index
      %get3A_958 = tpu.vector_load %arg8[%get3A_956, %get3A_957] {strides = array<i32>} : memref<8x128xf32, #tpu.memory_space<vmem>>, vector<1x16xf32>,
      %get3A_959 = vector.shape_cast %get3A_958 : vector<1x16xf32> to vector<16xf32>
      %add3A_960 = arith.addf %get3A_954, %get3A_959 : vector<16xf32>
      %swap3A_961 = arith.constant 6 : i32
      %swap3A_962 = arith.index_cast %swap3A_961 : i32 to index
      %swap3A_963 = arith.constant 112 : index
      %swap3A_964 = tpu.vector_load %arg9[%swap3A_962, %swap3A_963] {strides = array<i32>} : memref<8x128xf32, #tpu.memory_space<vmem>>, vector<1x16xf32>,
      %swap3A_965 = vector.shape_cast %swap3A_964 : vector<1x16xf32> to vector<16xf32>
      %swap3A_966 = vector.shape_cast %add3A_960 : vector<16xf32> to vector<1x16xf32>
      tpu.vector_store %arg9[%swap3A_962, %swap3A_963], %swap3A_966 {strides = array<i32>} : memref<8x128xf32, #tpu.memory_space<vmem>>, vector<1x16xf32>,
      %get3A_967 = arith.constant 7 : i32
      %get3A_968 = arith.index_cast %get3A_967 : i32 to index
      %get3A_969 = arith.constant 0 : index
      %get3A_970 = tpu.vector_load %arg7[%get3A_968, %get3A_969] {strides = array<i32>} : memref<8x128xf32, #tpu.memory_space<vmem>>, vector<1x16xf32>,
      %get3A_971 = vector.shape_cast %get3A_970 : vector<1x16xf32> to vector<16xf32>
      %get3A_972 = arith.constant 7 : i32
      %get3A_973 = arith.index_cast %get3A_972 : i32 to index
      %get3A_974 = arith.constant 0 : index
      %get3A_975 = tpu.vector_load %arg8[%get3A_973, %get3A_974] {strides = array<i32>} : memref<8x128xf32, #tpu.memory_space<vmem>>, vector<1x16xf32>,
      %get3A_976 = vector.shape_cast %get3A_975 : vector<1x16xf32> to vector<16xf32>
      %add3A_977 = arith.addf %get3A_971, %get3A_976 : vector<16xf32>
      %swap3A_978 = arith.constant 7 : i32
      %swap3A_979 = arith.index_cast %swap3A_978 : i32 to index
      %swap3A_980 = arith.constant 0 : index
      %swap3A_981 = tpu.vector_load %arg9[%swap3A_979, %swap3A_980] {strides = array<i32>} : memref<8x128xf32, #tpu.memory_space<vmem>>, vector<1x16xf32>,
      %swap3A_982 = vector.shape_cast %swap3A_981 : vector<1x16xf32> to vector<16xf32>
      %swap3A_983 = vector.shape_cast %add3A_977 : vector<16xf32> to vector<1x16xf32>
      tpu.vector_store %arg9[%swap3A_979, %swap3A_980], %swap3A_983 {strides = array<i32>} : memref<8x128xf32, #tpu.memory_space<vmem>>, vector<1x16xf32>,
      %get3A_984 = arith.constant 7 : i32
      %get3A_985 = arith.index_cast %get3A_984 : i32 to index
      %get3A_986 = arith.constant 16 : index
      %get3A_987 = tpu.vector_load %arg7[%get3A_985, %get3A_986] {strides = array<i32>} : memref<8x128xf32, #tpu.memory_space<vmem>>, vector<1x16xf32>,
      %get3A_988 = vector.shape_cast %get3A_987 : vector<1x16xf32> to vector<16xf32>
      %get3A_989 = arith.constant 7 : i32
      %get3A_990 = arith.index_cast %get3A_989 : i32 to index
      %get3A_991 = arith.constant 16 : index
      %get3A_992 = tpu.vector_load %arg8[%get3A_990, %get3A_991] {strides = array<i32>} : memref<8x128xf32, #tpu.memory_space<vmem>>, vector<1x16xf32>,
      %get3A_993 = vector.shape_cast %get3A_992 : vector<1x16xf32> to vector<16xf32>
      %add3A_994 = arith.addf %get3A_988, %get3A_993 : vector<16xf32>
      %swap3A_995 = arith.constant 7 : i32
      %swap3A_996 = arith.index_cast %swap3A_995 : i32 to index
      %swap3A_997 = arith.constant 16 : index
      %swap3A_998 = tpu.vector_load %arg9[%swap3A_996, %swap3A_997] {strides = array<i32>} : memref<8x128xf32, #tpu.memory_space<vmem>>, vector<1x16xf32>,
      %swap3A_999 = vector.shape_cast %swap3A_998 : vector<1x16xf32> to vector<16xf32>
      %swap3A_1000 = vector.shape_cast %add3A_994 : vector<16xf32> to vector<1x16xf32>
      tpu.vector_store %arg9[%swap3A_996, %swap3A_997], %swap3A_1000 {strides = array<i32>} : memref<8x128xf32, #tpu.memory_space<vmem>>, vector<1x16xf32>,
      %get3A_1001 = arith.constant 7 : i32
      %get3A_1002 = arith.index_cast %get3A_1001 : i32 to index
      %get3A_1003 = arith.constant 32 : index
      %get3A_1004 = tpu.vector_load %arg7[%get3A_1002, %get3A_1003] {strides = array<i32>} : memref<8x128xf32, #tpu.memory_space<vmem>>, vector<1x16xf32>,
      %get3A_1005 = vector.shape_cast %get3A_1004 : vector<1x16xf32> to vector<16xf32>
      %get3A_1006 = arith.constant 7 : i32
      %get3A_1007 = arith.index_cast %get3A_1006 : i32 to index
      %get3A_1008 = arith.constant 32 : index
      %get3A_1009 = tpu.vector_load %arg8[%get3A_1007, %get3A_1008] {strides = array<i32>} : memref<8x128xf32, #tpu.memory_space<vmem>>, vector<1x16xf32>,
      %get3A_1010 = vector.shape_cast %get3A_1009 : vector<1x16xf32> to vector<16xf32>
      %add3A_1011 = arith.addf %get3A_1005, %get3A_1010 : vector<16xf32>
      %swap3A_1012 = arith.constant 7 : i32
      %swap3A_1013 = arith.index_cast %swap3A_1012 : i32 to index
      %swap3A_1014 = arith.constant 32 : index
      %swap3A_1015 = tpu.vector_load %arg9[%swap3A_1013, %swap3A_1014] {strides = array<i32>} : memref<8x128xf32, #tpu.memory_space<vmem>>, vector<1x16xf32>,
      %swap3A_1016 = vector.shape_cast %swap3A_1015 : vector<1x16xf32> to vector<16xf32>
      %swap3A_1017 = vector.shape_cast %add3A_1011 : vector<16xf32> to vector<1x16xf32>
      tpu.vector_store %arg9[%swap3A_1013, %swap3A_1014], %swap3A_1017 {strides = array<i32>} : memref<8x128xf32, #tpu.memory_space<vmem>>, vector<1x16xf32>,
      %get3A_1018 = arith.constant 7 : i32
      %get3A_1019 = arith.index_cast %get3A_1018 : i32 to index
      %get3A_1020 = arith.constant 48 : index
      %get3A_1021 = tpu.vector_load %arg7[%get3A_1019, %get3A_1020] {strides = array<i32>} : memref<8x128xf32, #tpu.memory_space<vmem>>, vector<1x16xf32>,
      %get3A_1022 = vector.shape_cast %get3A_1021 : vector<1x16xf32> to vector<16xf32>
      %get3A_1023 = arith.constant 7 : i32
      %get3A_1024 = arith.index_cast %get3A_1023 : i32 to index
      %get3A_1025 = arith.constant 48 : index
      %get3A_1026 = tpu.vector_load %arg8[%get3A_1024, %get3A_1025] {strides = array<i32>} : memref<8x128xf32, #tpu.memory_space<vmem>>, vector<1x16xf32>,
      %get3A_1027 = vector.shape_cast %get3A_1026 : vector<1x16xf32> to vector<16xf32>
      %add3A_1028 = arith.addf %get3A_1022, %get3A_1027 : vector<16xf32>
      %swap3A_1029 = arith.constant 7 : i32
      %swap3A_1030 = arith.index_cast %swap3A_1029 : i32 to index
      %swap3A_1031 = arith.constant 48 : index
      %swap3A_1032 = tpu.vector_load %arg9[%swap3A_1030, %swap3A_1031] {strides = array<i32>} : memref<8x128xf32, #tpu.memory_space<vmem>>, vector<1x16xf32>,
      %swap3A_1033 = vector.shape_cast %swap3A_1032 : vector<1x16xf32> to vector<16xf32>
      %swap3A_1034 = vector.shape_cast %add3A_1028 : vector<16xf32> to vector<1x16xf32>
      tpu.vector_store %arg9[%swap3A_1030, %swap3A_1031], %swap3A_1034 {strides = array<i32>} : memref<8x128xf32, #tpu.memory_space<vmem>>, vector<1x16xf32>,
      %get3A_1035 = arith.constant 7 : i32
      %get3A_1036 = arith.index_cast %get3A_1035 : i32 to index
      %get3A_1037 = arith.constant 64 : index
      %get3A_1038 = tpu.vector_load %arg7[%get3A_1036, %get3A_1037] {strides = array<i32>} : memref<8x128xf32, #tpu.memory_space<vmem>>, vector<1x16xf32>,
      %get3A_1039 = vector.shape_cast %get3A_1038 : vector<1x16xf32> to vector<16xf32>
      %get3A_1040 = arith.constant 7 : i32
      %get3A_1041 = arith.index_cast %get3A_1040 : i32 to index
      %get3A_1042 = arith.constant 64 : index
      %get3A_1043 = tpu.vector_load %arg8[%get3A_1041, %get3A_1042] {strides = array<i32>} : memref<8x128xf32, #tpu.memory_space<vmem>>, vector<1x16xf32>,
      %get3A_1044 = vector.shape_cast %get3A_1043 : vector<1x16xf32> to vector<16xf32>
      %add3A_1045 = arith.addf %get3A_1039, %get3A_1044 : vector<16xf32>
      %swap3A_1046 = arith.constant 7 : i32
      %swap3A_1047 = arith.index_cast %swap3A_1046 : i32 to index
      %swap3A_1048 = arith.constant 64 : index
      %swap3A_1049 = tpu.vector_load %arg9[%swap3A_1047, %swap3A_1048] {strides = array<i32>} : memref<8x128xf32, #tpu.memory_space<vmem>>, vector<1x16xf32>,
      %swap3A_1050 = vector.shape_cast %swap3A_1049 : vector<1x16xf32> to vector<16xf32>
      %swap3A_1051 = vector.shape_cast %add3A_1045 : vector<16xf32> to vector<1x16xf32>
      tpu.vector_store %arg9[%swap3A_1047, %swap3A_1048], %swap3A_1051 {strides = array<i32>} : memref<8x128xf32, #tpu.memory_space<vmem>>, vector<1x16xf32>,
      %get3A_1052 = arith.constant 7 : i32
      %get3A_1053 = arith.index_cast %get3A_1052 : i32 to index
      %get3A_1054 = arith.constant 80 : index
      %get3A_1055 = tpu.vector_load %arg7[%get3A_1053, %get3A_1054] {strides = array<i32>} : memref<8x128xf32, #tpu.memory_space<vmem>>, vector<1x16xf32>,
      %get3A_1056 = vector.shape_cast %get3A_1055 : vector<1x16xf32> to vector<16xf32>
      %get3A_1057 = arith.constant 7 : i32
      %get3A_1058 = arith.index_cast %get3A_1057 : i32 to index
      %get3A_1059 = arith.constant 80 : index
      %get3A_1060 = tpu.vector_load %arg8[%get3A_1058, %get3A_1059] {strides = array<i32>} : memref<8x128xf32, #tpu.memory_space<vmem>>, vector<1x16xf32>,
      %get3A_1061 = vector.shape_cast %get3A_1060 : vector<1x16xf32> to vector<16xf32>
      %add3A_1062 = arith.addf %get3A_1056, %get3A_1061 : vector<16xf32>
      %swap3A_1063 = arith.constant 7 : i32
      %swap3A_1064 = arith.index_cast %swap3A_1063 : i32 to index
      %swap3A_1065 = arith.constant 80 : index
      %swap3A_1066 = tpu.vector_load %arg9[%swap3A_1064, %swap3A_1065] {strides = array<i32>} : memref<8x128xf32, #tpu.memory_space<vmem>>, vector<1x16xf32>,
      %swap3A_1067 = vector.shape_cast %swap3A_1066 : vector<1x16xf32> to vector<16xf32>
      %swap3A_1068 = vector.shape_cast %add3A_1062 : vector<16xf32> to vector<1x16xf32>
      tpu.vector_store %arg9[%swap3A_1064, %swap3A_1065], %swap3A_1068 {strides = array<i32>} : memref<8x128xf32, #tpu.memory_space<vmem>>, vector<1x16xf32>,
      %get3A_1069 = arith.constant 7 : i32
      %get3A_1070 = arith.index_cast %get3A_1069 : i32 to index
      %get3A_1071 = arith.constant 96 : index
      %get3A_1072 = tpu.vector_load %arg7[%get3A_1070, %get3A_1071] {strides = array<i32>} : memref<8x128xf32, #tpu.memory_space<vmem>>, vector<1x16xf32>,
      %get3A_1073 = vector.shape_cast %get3A_1072 : vector<1x16xf32> to vector<16xf32>
      %get3A_1074 = arith.constant 7 : i32
      %get3A_1075 = arith.index_cast %get3A_1074 : i32 to index
      %get3A_1076 = arith.constant 96 : index
      %get3A_1077 = tpu.vector_load %arg8[%get3A_1075, %get3A_1076] {strides = array<i32>} : memref<8x128xf32, #tpu.memory_space<vmem>>, vector<1x16xf32>,
      %get3A_1078 = vector.shape_cast %get3A_1077 : vector<1x16xf32> to vector<16xf32>
      %add3A_1079 = arith.addf %get3A_1073, %get3A_1078 : vector<16xf32>
      %swap3A_1080 = arith.constant 7 : i32
      %swap3A_1081 = arith.index_cast %swap3A_1080 : i32 to index
      %swap3A_1082 = arith.constant 96 : index
      %swap3A_1083 = tpu.vector_load %arg9[%swap3A_1081, %swap3A_1082] {strides = array<i32>} : memref<8x128xf32, #tpu.memory_space<vmem>>, vector<1x16xf32>,
      %swap3A_1084 = vector.shape_cast %swap3A_1083 : vector<1x16xf32> to vector<16xf32>
      %swap3A_1085 = vector.shape_cast %add3A_1079 : vector<16xf32> to vector<1x16xf32>
      tpu.vector_store %arg9[%swap3A_1081, %swap3A_1082], %swap3A_1085 {strides = array<i32>} : memref<8x128xf32, #tpu.memory_space<vmem>>, vector<1x16xf32>,
      %get3A_1086 = arith.constant 7 : i32
      %get3A_1087 = arith.index_cast %get3A_1086 : i32 to index
      %get3A_1088 = arith.constant 112 : index
      %get3A_1089 = tpu.vector_load %arg7[%get3A_1087, %get3A_1088] {strides = array<i32>} : memref<8x128xf32, #tpu.memory_space<vmem>>, vector<1x16xf32>,
      %get3A_1090 = vector.shape_cast %get3A_1089 : vector<1x16xf32> to vector<16xf32>
      %get3A_1091 = arith.constant 7 : i32
      %get3A_1092 = arith.index_cast %get3A_1091 : i32 to index
      %get3A_1093 = arith.constant 112 : index
      %get3A_1094 = tpu.vector_load %arg8[%get3A_1092, %get3A_1093] {strides = array<i32>} : memref<8x128xf32, #tpu.memory_space<vmem>>, vector<1x16xf32>,
      %get3A_1095 = vector.shape_cast %get3A_1094 : vector<1x16xf32> to vector<16xf32>
      %add3A_1096 = arith.addf %get3A_1090, %get3A_1095 : vector<16xf32>
      %swap3A_1097 = arith.constant 7 : i32
      %swap3A_1098 = arith.index_cast %swap3A_1097 : i32 to index
      %swap3A_1099 = arith.constant 112 : index
      %swap3A_1100 = tpu.vector_load %arg9[%swap3A_1098, %swap3A_1099] {strides = array<i32>} : memref<8x128xf32, #tpu.memory_space<vmem>>, vector<1x16xf32>,
      %swap3A_1101 = vector.shape_cast %swap3A_1100 : vector<1x16xf32> to vector<16xf32>
      %swap3A_1102 = vector.shape_cast %add3A_1096 : vector<16xf32> to vector<1x16xf32>
      tpu.vector_store %arg9[%swap3A_1098, %swap3A_1099], %swap3A_1102 {strides = array<i32>} : memref<8x128xf32, #tpu.memory_space<vmem>>, vector<1x16xf32>,
      "tpu.region"() ({
        %run_scoped3A = tpu.sem_alloc : memref<!tpu.dma_semaphore, #tpu.memory_space<semaphore_mem>>
        %dma_start3A_1103 = arith.constant 0 : i32
        %dma_start3A_1104 = tpu.memref_slice %arg4[%mul3A_4, %dma_start3A_1103] : memref<192x128xf32, #tpu.memory_space<hbm>> -> memref<8x128xf32, #tpu.memory_space<hbm>>
        %dma_start3A_1105 = arith.constant 0 : i32
        %dma_start3A_1106 = tpu.memref_slice %arg4[%mul3A_4, %dma_start3A_1105] : memref<192x128xf32, #tpu.memory_space<hbm>> -> memref<8x128xf32, #tpu.memory_space<hbm>>
        tpu.enqueue_dma source(%arg9 : memref<8x128xf32, #tpu.memory_space<vmem>>) target(%dma_start3A_1106 : memref<8x128xf32, #tpu.memory_space<hbm>>) target_semaphore(%run_scoped3A : memref<!tpu.dma_semaphore, #tpu.memory_space<semaphore_mem>>)
        %dma_wait3A_1107 = arith.constant 0 : i32
        %dma_wait3A_1108 = tpu.memref_slice %arg4[%mul3A_4, %dma_wait3A_1107] : memref<192x128xf32, #tpu.memory_space<hbm>> -> memref<8x128xf32, #tpu.memory_space<hbm>>
        %dma_wait3A_1109 = arith.constant 0 : i32
        %dma_wait3A_1110 = tpu.memref_slice %arg4[%mul3A_4, %dma_wait3A_1109] : memref<192x128xf32, #tpu.memory_space<hbm>> -> memref<8x128xf32, #tpu.memory_space<hbm>>
        tpu.wait_dma2 semaphore(%run_scoped3A : memref<!tpu.dma_semaphore, #tpu.memory_space<semaphore_mem>>) src(%arg9 : memref<8x128xf32, #tpu.memory_space<vmem>>) dst(%dma_wait3A_1110 : memref<8x128xf32, #tpu.memory_space<hbm>>)
        tpu.yield
      }) : () -> ()
    } else {
    }
    return
  }
}

module attributes {stable_mosaic.version = 14 : i64} {
  func.func @_tc_body(%arg0: i32, %arg1: memref<16x3x2048xf32, #tpu.memory_space<vmem>>, %arg2: memref<3x128xf32, #tpu.memory_space<vmem>>, %arg3: memref<16x1x128xf32, #tpu.memory_space<vmem>>, %arg4: memref<1x128xf32, #tpu.memory_space<vmem>>, %arg5: memref<16x2048x128xf32, #tpu.memory_space<vmem>>) attributes {dimension_semantics = [#tpu.dimension_semantics<arbitrary>], iteration_bounds = array<i64: 12>, scalar_prefetch = 0 : i64, scratch_operands = 0 : i64, tpu.core_type = #tpu.core_type<tc>, window_params = [{transform_indices = @transform_0, window_bounds = array<i64: 16, 3, 2048>}, {pipeline_mode = #tpu.pipeline_mode<synchronous>, transform_indices = @transform_1, window_bounds = array<i64: 3, 128>}, {transform_indices = @transform_2, window_bounds = array<i64: 16, 1, 128>}, {pipeline_mode = #tpu.pipeline_mode<synchronous>, transform_indices = @transform_3, window_bounds = array<i64: 1, 128>}, {transform_indices = @transform_4, window_bounds = array<i64: 16, 2048, 128>}]} {
    %get3A = arith.constant 0 : index
    %get3A_0 = arith.constant 0 : index
    %get3A_1 = arith.constant 0 : index
    %get3A_2 = vector.load %arg1[%get3A, %get3A_0, %get3A_1] : memref<16x3x2048xf32, #tpu.memory_space<vmem>>, vector<1x3x2048xf32>
    %get3A_3 = vector.shape_cast %get3A_2 : vector<1x3x2048xf32> to vector<3x2048xf32>
    %get3A_4 = arith.constant 0 : index
    %get3A_5 = arith.constant 0 : index
    %get3A_6 = vector.load %arg2[%get3A_4, %get3A_5] : memref<3x128xf32, #tpu.memory_space<vmem>>, vector<3x128xf32>
    %dot_general3A = arith.constant dense<0.000000e+00> : vector<2048x128xf32>
    %dot_general3A_7 = tpu.matmul %get3A_3, %get3A_6, %dot_general3A {dimension_numbers = #tpu.dot_dimension_numbers<[0], [0], [1], [1], [0, 1, 1, 1], [], []>, transpose_lhs_hint = false} : vector<3x2048xf32>, vector<3x128xf32>, vector<2048x128xf32> -> vector<2048x128xf32>
    %get3A_8 = arith.constant 0 : index
    %get3A_9 = arith.constant 0 : index
    %get3A_10 = arith.constant 0 : index
    %get3A_11 = vector.load %arg3[%get3A_8, %get3A_9, %get3A_10] : memref<16x1x128xf32, #tpu.memory_space<vmem>>, vector<1x1x128xf32>
    %get3A_12 = vector.shape_cast %get3A_11 : vector<1x1x128xf32> to vector<1x128xf32>
    %add3A = vector.broadcast %get3A_12 : vector<1x128xf32> to vector<2048x128xf32>
    %add3A_13 = arith.addf %dot_general3A_7, %add3A : vector<2048x128xf32>
    %get3A_14 = arith.constant 0 : index
    %get3A_15 = arith.constant 0 : index
    %get3A_16 = vector.load %arg4[%get3A_14, %get3A_15] : memref<1x128xf32, #tpu.memory_space<vmem>>, vector<1x128xf32>
    %get3A_17 = vector.shape_cast %get3A_16 : vector<1x128xf32> to vector<128xf32>
    %broadcast_in_dim3A = vector.shape_cast %get3A_17 : vector<128xf32> to vector<1x128xf32>
    %add3A_18 = vector.broadcast %broadcast_in_dim3A : vector<1x128xf32> to vector<2048x128xf32>
    %add3A_19 = arith.addf %add3A_13, %add3A_18 : vector<2048x128xf32>
    %iota3A = tpu.iota {dimensions = array<i32: 1>} : vector<2048x128xi32>
    %ge3A = arith.constant 96 : i32
    %ge3A_20 = vector.broadcast %ge3A : i32 to vector<2048x128xi32>
    %ge3A_21 = arith.cmpi sge, %iota3A, %ge3A_20 : vector<2048x128xi32>
    %max3A = arith.constant 0.000000e+00 : f32
    %max3A_22 = vector.broadcast %max3A : f32 to vector<2048x128xf32>
    %max3A_23 = arith.maximumf %add3A_19, %max3A_22 : vector<2048x128xf32>
    %select_n3A = arith.select %ge3A_21, %max3A_23, %add3A_19 : vector<2048x128xi1>, vector<2048x128xf32>
    %swap3A = arith.constant 0 : index
    %swap3A_24 = arith.constant 0 : index
    %swap3A_25 = arith.constant 0 : index
    %swap3A_26 = vector.load %arg5[%swap3A, %swap3A_24, %swap3A_25] : memref<16x2048x128xf32, #tpu.memory_space<vmem>>, vector<1x2048x128xf32>
    %swap3A_27 = vector.shape_cast %swap3A_26 : vector<1x2048x128xf32> to vector<2048x128xf32>
    %swap3A_28 = vector.shape_cast %select_n3A : vector<2048x128xf32> to vector<1x2048x128xf32>
    tpu.vector_store %arg5[%swap3A, %swap3A_24, %swap3A_25], %swap3A_28 {strides = array<i32>} : memref<16x2048x128xf32, #tpu.memory_space<vmem>>, vector<1x2048x128xf32>,
    %get3A_29 = arith.constant 1 : index
    %get3A_30 = arith.constant 0 : index
    %get3A_31 = arith.constant 0 : index
    %get3A_32 = vector.load %arg1[%get3A_29, %get3A_30, %get3A_31] : memref<16x3x2048xf32, #tpu.memory_space<vmem>>, vector<1x3x2048xf32>
    %get3A_33 = vector.shape_cast %get3A_32 : vector<1x3x2048xf32> to vector<3x2048xf32>
    %get3A_34 = arith.constant 0 : index
    %get3A_35 = arith.constant 0 : index
    %get3A_36 = vector.load %arg2[%get3A_34, %get3A_35] : memref<3x128xf32, #tpu.memory_space<vmem>>, vector<3x128xf32>
    %dot_general3A_37 = arith.constant dense<0.000000e+00> : vector<2048x128xf32>
    %dot_general3A_38 = tpu.matmul %get3A_33, %get3A_36, %dot_general3A_37 {dimension_numbers = #tpu.dot_dimension_numbers<[0], [0], [1], [1], [0, 1, 1, 1], [], []>, transpose_lhs_hint = false} : vector<3x2048xf32>, vector<3x128xf32>, vector<2048x128xf32> -> vector<2048x128xf32>
    %get3A_39 = arith.constant 1 : index
    %get3A_40 = arith.constant 0 : index
    %get3A_41 = arith.constant 0 : index
    %get3A_42 = vector.load %arg3[%get3A_39, %get3A_40, %get3A_41] : memref<16x1x128xf32, #tpu.memory_space<vmem>>, vector<1x1x128xf32>
    %get3A_43 = vector.shape_cast %get3A_42 : vector<1x1x128xf32> to vector<1x128xf32>
    %add3A_44 = vector.broadcast %get3A_43 : vector<1x128xf32> to vector<2048x128xf32>
    %add3A_45 = arith.addf %dot_general3A_38, %add3A_44 : vector<2048x128xf32>
    %get3A_46 = arith.constant 0 : index
    %get3A_47 = arith.constant 0 : index
    %get3A_48 = vector.load %arg4[%get3A_46, %get3A_47] : memref<1x128xf32, #tpu.memory_space<vmem>>, vector<1x128xf32>
    %get3A_49 = vector.shape_cast %get3A_48 : vector<1x128xf32> to vector<128xf32>
    %broadcast_in_dim3A_50 = vector.shape_cast %get3A_49 : vector<128xf32> to vector<1x128xf32>
    %add3A_51 = vector.broadcast %broadcast_in_dim3A_50 : vector<1x128xf32> to vector<2048x128xf32>
    %add3A_52 = arith.addf %add3A_45, %add3A_51 : vector<2048x128xf32>
    %iota3A_53 = tpu.iota {dimensions = array<i32: 1>} : vector<2048x128xi32>
    %ge3A_54 = arith.constant 96 : i32
    %ge3A_55 = vector.broadcast %ge3A_54 : i32 to vector<2048x128xi32>
    %ge3A_56 = arith.cmpi sge, %iota3A_53, %ge3A_55 : vector<2048x128xi32>
    %max3A_57 = arith.constant 0.000000e+00 : f32
    %max3A_58 = vector.broadcast %max3A_57 : f32 to vector<2048x128xf32>
    %max3A_59 = arith.maximumf %add3A_52, %max3A_58 : vector<2048x128xf32>
    %select_n3A_60 = arith.select %ge3A_56, %max3A_59, %add3A_52 : vector<2048x128xi1>, vector<2048x128xf32>
    %swap3A_61 = arith.constant 1 : index
    %swap3A_62 = arith.constant 0 : index
    %swap3A_63 = arith.constant 0 : index
    %swap3A_64 = vector.load %arg5[%swap3A_61, %swap3A_62, %swap3A_63] : memref<16x2048x128xf32, #tpu.memory_space<vmem>>, vector<1x2048x128xf32>
    %swap3A_65 = vector.shape_cast %swap3A_64 : vector<1x2048x128xf32> to vector<2048x128xf32>
    %swap3A_66 = vector.shape_cast %select_n3A_60 : vector<2048x128xf32> to vector<1x2048x128xf32>
    tpu.vector_store %arg5[%swap3A_61, %swap3A_62, %swap3A_63], %swap3A_66 {strides = array<i32>} : memref<16x2048x128xf32, #tpu.memory_space<vmem>>, vector<1x2048x128xf32>,
    %get3A_67 = arith.constant 2 : index
    %get3A_68 = arith.constant 0 : index
    %get3A_69 = arith.constant 0 : index
    %get3A_70 = vector.load %arg1[%get3A_67, %get3A_68, %get3A_69] : memref<16x3x2048xf32, #tpu.memory_space<vmem>>, vector<1x3x2048xf32>
    %get3A_71 = vector.shape_cast %get3A_70 : vector<1x3x2048xf32> to vector<3x2048xf32>
    %get3A_72 = arith.constant 0 : index
    %get3A_73 = arith.constant 0 : index
    %get3A_74 = vector.load %arg2[%get3A_72, %get3A_73] : memref<3x128xf32, #tpu.memory_space<vmem>>, vector<3x128xf32>
    %dot_general3A_75 = arith.constant dense<0.000000e+00> : vector<2048x128xf32>
    %dot_general3A_76 = tpu.matmul %get3A_71, %get3A_74, %dot_general3A_75 {dimension_numbers = #tpu.dot_dimension_numbers<[0], [0], [1], [1], [0, 1, 1, 1], [], []>, transpose_lhs_hint = false} : vector<3x2048xf32>, vector<3x128xf32>, vector<2048x128xf32> -> vector<2048x128xf32>
    %get3A_77 = arith.constant 2 : index
    %get3A_78 = arith.constant 0 : index
    %get3A_79 = arith.constant 0 : index
    %get3A_80 = vector.load %arg3[%get3A_77, %get3A_78, %get3A_79] : memref<16x1x128xf32, #tpu.memory_space<vmem>>, vector<1x1x128xf32>
    %get3A_81 = vector.shape_cast %get3A_80 : vector<1x1x128xf32> to vector<1x128xf32>
    %add3A_82 = vector.broadcast %get3A_81 : vector<1x128xf32> to vector<2048x128xf32>
    %add3A_83 = arith.addf %dot_general3A_76, %add3A_82 : vector<2048x128xf32>
    %get3A_84 = arith.constant 0 : index
    %get3A_85 = arith.constant 0 : index
    %get3A_86 = vector.load %arg4[%get3A_84, %get3A_85] : memref<1x128xf32, #tpu.memory_space<vmem>>, vector<1x128xf32>
    %get3A_87 = vector.shape_cast %get3A_86 : vector<1x128xf32> to vector<128xf32>
    %broadcast_in_dim3A_88 = vector.shape_cast %get3A_87 : vector<128xf32> to vector<1x128xf32>
    %add3A_89 = vector.broadcast %broadcast_in_dim3A_88 : vector<1x128xf32> to vector<2048x128xf32>
    %add3A_90 = arith.addf %add3A_83, %add3A_89 : vector<2048x128xf32>
    %iota3A_91 = tpu.iota {dimensions = array<i32: 1>} : vector<2048x128xi32>
    %ge3A_92 = arith.constant 96 : i32
    %ge3A_93 = vector.broadcast %ge3A_92 : i32 to vector<2048x128xi32>
    %ge3A_94 = arith.cmpi sge, %iota3A_91, %ge3A_93 : vector<2048x128xi32>
    %max3A_95 = arith.constant 0.000000e+00 : f32
    %max3A_96 = vector.broadcast %max3A_95 : f32 to vector<2048x128xf32>
    %max3A_97 = arith.maximumf %add3A_90, %max3A_96 : vector<2048x128xf32>
    %select_n3A_98 = arith.select %ge3A_94, %max3A_97, %add3A_90 : vector<2048x128xi1>, vector<2048x128xf32>
    %swap3A_99 = arith.constant 2 : index
    %swap3A_100 = arith.constant 0 : index
    %swap3A_101 = arith.constant 0 : index
    %swap3A_102 = vector.load %arg5[%swap3A_99, %swap3A_100, %swap3A_101] : memref<16x2048x128xf32, #tpu.memory_space<vmem>>, vector<1x2048x128xf32>
    %swap3A_103 = vector.shape_cast %swap3A_102 : vector<1x2048x128xf32> to vector<2048x128xf32>
    %swap3A_104 = vector.shape_cast %select_n3A_98 : vector<2048x128xf32> to vector<1x2048x128xf32>
    tpu.vector_store %arg5[%swap3A_99, %swap3A_100, %swap3A_101], %swap3A_104 {strides = array<i32>} : memref<16x2048x128xf32, #tpu.memory_space<vmem>>, vector<1x2048x128xf32>,
    %get3A_105 = arith.constant 3 : index
    %get3A_106 = arith.constant 0 : index
    %get3A_107 = arith.constant 0 : index
    %get3A_108 = vector.load %arg1[%get3A_105, %get3A_106, %get3A_107] : memref<16x3x2048xf32, #tpu.memory_space<vmem>>, vector<1x3x2048xf32>
    %get3A_109 = vector.shape_cast %get3A_108 : vector<1x3x2048xf32> to vector<3x2048xf32>
    %get3A_110 = arith.constant 0 : index
    %get3A_111 = arith.constant 0 : index
    %get3A_112 = vector.load %arg2[%get3A_110, %get3A_111] : memref<3x128xf32, #tpu.memory_space<vmem>>, vector<3x128xf32>
    %dot_general3A_113 = arith.constant dense<0.000000e+00> : vector<2048x128xf32>
    %dot_general3A_114 = tpu.matmul %get3A_109, %get3A_112, %dot_general3A_113 {dimension_numbers = #tpu.dot_dimension_numbers<[0], [0], [1], [1], [0, 1, 1, 1], [], []>, transpose_lhs_hint = false} : vector<3x2048xf32>, vector<3x128xf32>, vector<2048x128xf32> -> vector<2048x128xf32>
    %get3A_115 = arith.constant 3 : index
    %get3A_116 = arith.constant 0 : index
    %get3A_117 = arith.constant 0 : index
    %get3A_118 = vector.load %arg3[%get3A_115, %get3A_116, %get3A_117] : memref<16x1x128xf32, #tpu.memory_space<vmem>>, vector<1x1x128xf32>
    %get3A_119 = vector.shape_cast %get3A_118 : vector<1x1x128xf32> to vector<1x128xf32>
    %add3A_120 = vector.broadcast %get3A_119 : vector<1x128xf32> to vector<2048x128xf32>
    %add3A_121 = arith.addf %dot_general3A_114, %add3A_120 : vector<2048x128xf32>
    %get3A_122 = arith.constant 0 : index
    %get3A_123 = arith.constant 0 : index
    %get3A_124 = vector.load %arg4[%get3A_122, %get3A_123] : memref<1x128xf32, #tpu.memory_space<vmem>>, vector<1x128xf32>
    %get3A_125 = vector.shape_cast %get3A_124 : vector<1x128xf32> to vector<128xf32>
    %broadcast_in_dim3A_126 = vector.shape_cast %get3A_125 : vector<128xf32> to vector<1x128xf32>
    %add3A_127 = vector.broadcast %broadcast_in_dim3A_126 : vector<1x128xf32> to vector<2048x128xf32>
    %add3A_128 = arith.addf %add3A_121, %add3A_127 : vector<2048x128xf32>
    %iota3A_129 = tpu.iota {dimensions = array<i32: 1>} : vector<2048x128xi32>
    %ge3A_130 = arith.constant 96 : i32
    %ge3A_131 = vector.broadcast %ge3A_130 : i32 to vector<2048x128xi32>
    %ge3A_132 = arith.cmpi sge, %iota3A_129, %ge3A_131 : vector<2048x128xi32>
    %max3A_133 = arith.constant 0.000000e+00 : f32
    %max3A_134 = vector.broadcast %max3A_133 : f32 to vector<2048x128xf32>
    %max3A_135 = arith.maximumf %add3A_128, %max3A_134 : vector<2048x128xf32>
    %select_n3A_136 = arith.select %ge3A_132, %max3A_135, %add3A_128 : vector<2048x128xi1>, vector<2048x128xf32>
    %swap3A_137 = arith.constant 3 : index
    %swap3A_138 = arith.constant 0 : index
    %swap3A_139 = arith.constant 0 : index
    %swap3A_140 = vector.load %arg5[%swap3A_137, %swap3A_138, %swap3A_139] : memref<16x2048x128xf32, #tpu.memory_space<vmem>>, vector<1x2048x128xf32>
    %swap3A_141 = vector.shape_cast %swap3A_140 : vector<1x2048x128xf32> to vector<2048x128xf32>
    %swap3A_142 = vector.shape_cast %select_n3A_136 : vector<2048x128xf32> to vector<1x2048x128xf32>
    tpu.vector_store %arg5[%swap3A_137, %swap3A_138, %swap3A_139], %swap3A_142 {strides = array<i32>} : memref<16x2048x128xf32, #tpu.memory_space<vmem>>, vector<1x2048x128xf32>,
    %get3A_143 = arith.constant 4 : index
    %get3A_144 = arith.constant 0 : index
    %get3A_145 = arith.constant 0 : index
    %get3A_146 = vector.load %arg1[%get3A_143, %get3A_144, %get3A_145] : memref<16x3x2048xf32, #tpu.memory_space<vmem>>, vector<1x3x2048xf32>
    %get3A_147 = vector.shape_cast %get3A_146 : vector<1x3x2048xf32> to vector<3x2048xf32>
    %get3A_148 = arith.constant 0 : index
    %get3A_149 = arith.constant 0 : index
    %get3A_150 = vector.load %arg2[%get3A_148, %get3A_149] : memref<3x128xf32, #tpu.memory_space<vmem>>, vector<3x128xf32>
    %dot_general3A_151 = arith.constant dense<0.000000e+00> : vector<2048x128xf32>
    %dot_general3A_152 = tpu.matmul %get3A_147, %get3A_150, %dot_general3A_151 {dimension_numbers = #tpu.dot_dimension_numbers<[0], [0], [1], [1], [0, 1, 1, 1], [], []>, transpose_lhs_hint = false} : vector<3x2048xf32>, vector<3x128xf32>, vector<2048x128xf32> -> vector<2048x128xf32>
    %get3A_153 = arith.constant 4 : index
    %get3A_154 = arith.constant 0 : index
    %get3A_155 = arith.constant 0 : index
    %get3A_156 = vector.load %arg3[%get3A_153, %get3A_154, %get3A_155] : memref<16x1x128xf32, #tpu.memory_space<vmem>>, vector<1x1x128xf32>
    %get3A_157 = vector.shape_cast %get3A_156 : vector<1x1x128xf32> to vector<1x128xf32>
    %add3A_158 = vector.broadcast %get3A_157 : vector<1x128xf32> to vector<2048x128xf32>
    %add3A_159 = arith.addf %dot_general3A_152, %add3A_158 : vector<2048x128xf32>
    %get3A_160 = arith.constant 0 : index
    %get3A_161 = arith.constant 0 : index
    %get3A_162 = vector.load %arg4[%get3A_160, %get3A_161] : memref<1x128xf32, #tpu.memory_space<vmem>>, vector<1x128xf32>
    %get3A_163 = vector.shape_cast %get3A_162 : vector<1x128xf32> to vector<128xf32>
    %broadcast_in_dim3A_164 = vector.shape_cast %get3A_163 : vector<128xf32> to vector<1x128xf32>
    %add3A_165 = vector.broadcast %broadcast_in_dim3A_164 : vector<1x128xf32> to vector<2048x128xf32>
    %add3A_166 = arith.addf %add3A_159, %add3A_165 : vector<2048x128xf32>
    %iota3A_167 = tpu.iota {dimensions = array<i32: 1>} : vector<2048x128xi32>
    %ge3A_168 = arith.constant 96 : i32
    %ge3A_169 = vector.broadcast %ge3A_168 : i32 to vector<2048x128xi32>
    %ge3A_170 = arith.cmpi sge, %iota3A_167, %ge3A_169 : vector<2048x128xi32>
    %max3A_171 = arith.constant 0.000000e+00 : f32
    %max3A_172 = vector.broadcast %max3A_171 : f32 to vector<2048x128xf32>
    %max3A_173 = arith.maximumf %add3A_166, %max3A_172 : vector<2048x128xf32>
    %select_n3A_174 = arith.select %ge3A_170, %max3A_173, %add3A_166 : vector<2048x128xi1>, vector<2048x128xf32>
    %swap3A_175 = arith.constant 4 : index
    %swap3A_176 = arith.constant 0 : index
    %swap3A_177 = arith.constant 0 : index
    %swap3A_178 = vector.load %arg5[%swap3A_175, %swap3A_176, %swap3A_177] : memref<16x2048x128xf32, #tpu.memory_space<vmem>>, vector<1x2048x128xf32>
    %swap3A_179 = vector.shape_cast %swap3A_178 : vector<1x2048x128xf32> to vector<2048x128xf32>
    %swap3A_180 = vector.shape_cast %select_n3A_174 : vector<2048x128xf32> to vector<1x2048x128xf32>
    tpu.vector_store %arg5[%swap3A_175, %swap3A_176, %swap3A_177], %swap3A_180 {strides = array<i32>} : memref<16x2048x128xf32, #tpu.memory_space<vmem>>, vector<1x2048x128xf32>,
    %get3A_181 = arith.constant 5 : index
    %get3A_182 = arith.constant 0 : index
    %get3A_183 = arith.constant 0 : index
    %get3A_184 = vector.load %arg1[%get3A_181, %get3A_182, %get3A_183] : memref<16x3x2048xf32, #tpu.memory_space<vmem>>, vector<1x3x2048xf32>
    %get3A_185 = vector.shape_cast %get3A_184 : vector<1x3x2048xf32> to vector<3x2048xf32>
    %get3A_186 = arith.constant 0 : index
    %get3A_187 = arith.constant 0 : index
    %get3A_188 = vector.load %arg2[%get3A_186, %get3A_187] : memref<3x128xf32, #tpu.memory_space<vmem>>, vector<3x128xf32>
    %dot_general3A_189 = arith.constant dense<0.000000e+00> : vector<2048x128xf32>
    %dot_general3A_190 = tpu.matmul %get3A_185, %get3A_188, %dot_general3A_189 {dimension_numbers = #tpu.dot_dimension_numbers<[0], [0], [1], [1], [0, 1, 1, 1], [], []>, transpose_lhs_hint = false} : vector<3x2048xf32>, vector<3x128xf32>, vector<2048x128xf32> -> vector<2048x128xf32>
    %get3A_191 = arith.constant 5 : index
    %get3A_192 = arith.constant 0 : index
    %get3A_193 = arith.constant 0 : index
    %get3A_194 = vector.load %arg3[%get3A_191, %get3A_192, %get3A_193] : memref<16x1x128xf32, #tpu.memory_space<vmem>>, vector<1x1x128xf32>
    %get3A_195 = vector.shape_cast %get3A_194 : vector<1x1x128xf32> to vector<1x128xf32>
    %add3A_196 = vector.broadcast %get3A_195 : vector<1x128xf32> to vector<2048x128xf32>
    %add3A_197 = arith.addf %dot_general3A_190, %add3A_196 : vector<2048x128xf32>
    %get3A_198 = arith.constant 0 : index
    %get3A_199 = arith.constant 0 : index
    %get3A_200 = vector.load %arg4[%get3A_198, %get3A_199] : memref<1x128xf32, #tpu.memory_space<vmem>>, vector<1x128xf32>
    %get3A_201 = vector.shape_cast %get3A_200 : vector<1x128xf32> to vector<128xf32>
    %broadcast_in_dim3A_202 = vector.shape_cast %get3A_201 : vector<128xf32> to vector<1x128xf32>
    %add3A_203 = vector.broadcast %broadcast_in_dim3A_202 : vector<1x128xf32> to vector<2048x128xf32>
    %add3A_204 = arith.addf %add3A_197, %add3A_203 : vector<2048x128xf32>
    %iota3A_205 = tpu.iota {dimensions = array<i32: 1>} : vector<2048x128xi32>
    %ge3A_206 = arith.constant 96 : i32
    %ge3A_207 = vector.broadcast %ge3A_206 : i32 to vector<2048x128xi32>
    %ge3A_208 = arith.cmpi sge, %iota3A_205, %ge3A_207 : vector<2048x128xi32>
    %max3A_209 = arith.constant 0.000000e+00 : f32
    %max3A_210 = vector.broadcast %max3A_209 : f32 to vector<2048x128xf32>
    %max3A_211 = arith.maximumf %add3A_204, %max3A_210 : vector<2048x128xf32>
    %select_n3A_212 = arith.select %ge3A_208, %max3A_211, %add3A_204 : vector<2048x128xi1>, vector<2048x128xf32>
    %swap3A_213 = arith.constant 5 : index
    %swap3A_214 = arith.constant 0 : index
    %swap3A_215 = arith.constant 0 : index
    %swap3A_216 = vector.load %arg5[%swap3A_213, %swap3A_214, %swap3A_215] : memref<16x2048x128xf32, #tpu.memory_space<vmem>>, vector<1x2048x128xf32>
    %swap3A_217 = vector.shape_cast %swap3A_216 : vector<1x2048x128xf32> to vector<2048x128xf32>
    %swap3A_218 = vector.shape_cast %select_n3A_212 : vector<2048x128xf32> to vector<1x2048x128xf32>
    tpu.vector_store %arg5[%swap3A_213, %swap3A_214, %swap3A_215], %swap3A_218 {strides = array<i32>} : memref<16x2048x128xf32, #tpu.memory_space<vmem>>, vector<1x2048x128xf32>,
    %get3A_219 = arith.constant 6 : index
    %get3A_220 = arith.constant 0 : index
    %get3A_221 = arith.constant 0 : index
    %get3A_222 = vector.load %arg1[%get3A_219, %get3A_220, %get3A_221] : memref<16x3x2048xf32, #tpu.memory_space<vmem>>, vector<1x3x2048xf32>
    %get3A_223 = vector.shape_cast %get3A_222 : vector<1x3x2048xf32> to vector<3x2048xf32>
    %get3A_224 = arith.constant 0 : index
    %get3A_225 = arith.constant 0 : index
    %get3A_226 = vector.load %arg2[%get3A_224, %get3A_225] : memref<3x128xf32, #tpu.memory_space<vmem>>, vector<3x128xf32>
    %dot_general3A_227 = arith.constant dense<0.000000e+00> : vector<2048x128xf32>
    %dot_general3A_228 = tpu.matmul %get3A_223, %get3A_226, %dot_general3A_227 {dimension_numbers = #tpu.dot_dimension_numbers<[0], [0], [1], [1], [0, 1, 1, 1], [], []>, transpose_lhs_hint = false} : vector<3x2048xf32>, vector<3x128xf32>, vector<2048x128xf32> -> vector<2048x128xf32>
    %get3A_229 = arith.constant 6 : index
    %get3A_230 = arith.constant 0 : index
    %get3A_231 = arith.constant 0 : index
    %get3A_232 = vector.load %arg3[%get3A_229, %get3A_230, %get3A_231] : memref<16x1x128xf32, #tpu.memory_space<vmem>>, vector<1x1x128xf32>
    %get3A_233 = vector.shape_cast %get3A_232 : vector<1x1x128xf32> to vector<1x128xf32>
    %add3A_234 = vector.broadcast %get3A_233 : vector<1x128xf32> to vector<2048x128xf32>
    %add3A_235 = arith.addf %dot_general3A_228, %add3A_234 : vector<2048x128xf32>
    %get3A_236 = arith.constant 0 : index
    %get3A_237 = arith.constant 0 : index
    %get3A_238 = vector.load %arg4[%get3A_236, %get3A_237] : memref<1x128xf32, #tpu.memory_space<vmem>>, vector<1x128xf32>
    %get3A_239 = vector.shape_cast %get3A_238 : vector<1x128xf32> to vector<128xf32>
    %broadcast_in_dim3A_240 = vector.shape_cast %get3A_239 : vector<128xf32> to vector<1x128xf32>
    %add3A_241 = vector.broadcast %broadcast_in_dim3A_240 : vector<1x128xf32> to vector<2048x128xf32>
    %add3A_242 = arith.addf %add3A_235, %add3A_241 : vector<2048x128xf32>
    %iota3A_243 = tpu.iota {dimensions = array<i32: 1>} : vector<2048x128xi32>
    %ge3A_244 = arith.constant 96 : i32
    %ge3A_245 = vector.broadcast %ge3A_244 : i32 to vector<2048x128xi32>
    %ge3A_246 = arith.cmpi sge, %iota3A_243, %ge3A_245 : vector<2048x128xi32>
    %max3A_247 = arith.constant 0.000000e+00 : f32
    %max3A_248 = vector.broadcast %max3A_247 : f32 to vector<2048x128xf32>
    %max3A_249 = arith.maximumf %add3A_242, %max3A_248 : vector<2048x128xf32>
    %select_n3A_250 = arith.select %ge3A_246, %max3A_249, %add3A_242 : vector<2048x128xi1>, vector<2048x128xf32>
    %swap3A_251 = arith.constant 6 : index
    %swap3A_252 = arith.constant 0 : index
    %swap3A_253 = arith.constant 0 : index
    %swap3A_254 = vector.load %arg5[%swap3A_251, %swap3A_252, %swap3A_253] : memref<16x2048x128xf32, #tpu.memory_space<vmem>>, vector<1x2048x128xf32>
    %swap3A_255 = vector.shape_cast %swap3A_254 : vector<1x2048x128xf32> to vector<2048x128xf32>
    %swap3A_256 = vector.shape_cast %select_n3A_250 : vector<2048x128xf32> to vector<1x2048x128xf32>
    tpu.vector_store %arg5[%swap3A_251, %swap3A_252, %swap3A_253], %swap3A_256 {strides = array<i32>} : memref<16x2048x128xf32, #tpu.memory_space<vmem>>, vector<1x2048x128xf32>,
    %get3A_257 = arith.constant 7 : index
    %get3A_258 = arith.constant 0 : index
    %get3A_259 = arith.constant 0 : index
    %get3A_260 = vector.load %arg1[%get3A_257, %get3A_258, %get3A_259] : memref<16x3x2048xf32, #tpu.memory_space<vmem>>, vector<1x3x2048xf32>
    %get3A_261 = vector.shape_cast %get3A_260 : vector<1x3x2048xf32> to vector<3x2048xf32>
    %get3A_262 = arith.constant 0 : index
    %get3A_263 = arith.constant 0 : index
    %get3A_264 = vector.load %arg2[%get3A_262, %get3A_263] : memref<3x128xf32, #tpu.memory_space<vmem>>, vector<3x128xf32>
    %dot_general3A_265 = arith.constant dense<0.000000e+00> : vector<2048x128xf32>
    %dot_general3A_266 = tpu.matmul %get3A_261, %get3A_264, %dot_general3A_265 {dimension_numbers = #tpu.dot_dimension_numbers<[0], [0], [1], [1], [0, 1, 1, 1], [], []>, transpose_lhs_hint = false} : vector<3x2048xf32>, vector<3x128xf32>, vector<2048x128xf32> -> vector<2048x128xf32>
    %get3A_267 = arith.constant 7 : index
    %get3A_268 = arith.constant 0 : index
    %get3A_269 = arith.constant 0 : index
    %get3A_270 = vector.load %arg3[%get3A_267, %get3A_268, %get3A_269] : memref<16x1x128xf32, #tpu.memory_space<vmem>>, vector<1x1x128xf32>
    %get3A_271 = vector.shape_cast %get3A_270 : vector<1x1x128xf32> to vector<1x128xf32>
    %add3A_272 = vector.broadcast %get3A_271 : vector<1x128xf32> to vector<2048x128xf32>
    %add3A_273 = arith.addf %dot_general3A_266, %add3A_272 : vector<2048x128xf32>
    %get3A_274 = arith.constant 0 : index
    %get3A_275 = arith.constant 0 : index
    %get3A_276 = vector.load %arg4[%get3A_274, %get3A_275] : memref<1x128xf32, #tpu.memory_space<vmem>>, vector<1x128xf32>
    %get3A_277 = vector.shape_cast %get3A_276 : vector<1x128xf32> to vector<128xf32>
    %broadcast_in_dim3A_278 = vector.shape_cast %get3A_277 : vector<128xf32> to vector<1x128xf32>
    %add3A_279 = vector.broadcast %broadcast_in_dim3A_278 : vector<1x128xf32> to vector<2048x128xf32>
    %add3A_280 = arith.addf %add3A_273, %add3A_279 : vector<2048x128xf32>
    %iota3A_281 = tpu.iota {dimensions = array<i32: 1>} : vector<2048x128xi32>
    %ge3A_282 = arith.constant 96 : i32
    %ge3A_283 = vector.broadcast %ge3A_282 : i32 to vector<2048x128xi32>
    %ge3A_284 = arith.cmpi sge, %iota3A_281, %ge3A_283 : vector<2048x128xi32>
    %max3A_285 = arith.constant 0.000000e+00 : f32
    %max3A_286 = vector.broadcast %max3A_285 : f32 to vector<2048x128xf32>
    %max3A_287 = arith.maximumf %add3A_280, %max3A_286 : vector<2048x128xf32>
    %select_n3A_288 = arith.select %ge3A_284, %max3A_287, %add3A_280 : vector<2048x128xi1>, vector<2048x128xf32>
    %swap3A_289 = arith.constant 7 : index
    %swap3A_290 = arith.constant 0 : index
    %swap3A_291 = arith.constant 0 : index
    %swap3A_292 = vector.load %arg5[%swap3A_289, %swap3A_290, %swap3A_291] : memref<16x2048x128xf32, #tpu.memory_space<vmem>>, vector<1x2048x128xf32>
    %swap3A_293 = vector.shape_cast %swap3A_292 : vector<1x2048x128xf32> to vector<2048x128xf32>
    %swap3A_294 = vector.shape_cast %select_n3A_288 : vector<2048x128xf32> to vector<1x2048x128xf32>
    tpu.vector_store %arg5[%swap3A_289, %swap3A_290, %swap3A_291], %swap3A_294 {strides = array<i32>} : memref<16x2048x128xf32, #tpu.memory_space<vmem>>, vector<1x2048x128xf32>,
    %get3A_295 = arith.constant 8 : index
    %get3A_296 = arith.constant 0 : index
    %get3A_297 = arith.constant 0 : index
    %get3A_298 = vector.load %arg1[%get3A_295, %get3A_296, %get3A_297] : memref<16x3x2048xf32, #tpu.memory_space<vmem>>, vector<1x3x2048xf32>
    %get3A_299 = vector.shape_cast %get3A_298 : vector<1x3x2048xf32> to vector<3x2048xf32>
    %get3A_300 = arith.constant 0 : index
    %get3A_301 = arith.constant 0 : index
    %get3A_302 = vector.load %arg2[%get3A_300, %get3A_301] : memref<3x128xf32, #tpu.memory_space<vmem>>, vector<3x128xf32>
    %dot_general3A_303 = arith.constant dense<0.000000e+00> : vector<2048x128xf32>
    %dot_general3A_304 = tpu.matmul %get3A_299, %get3A_302, %dot_general3A_303 {dimension_numbers = #tpu.dot_dimension_numbers<[0], [0], [1], [1], [0, 1, 1, 1], [], []>, transpose_lhs_hint = false} : vector<3x2048xf32>, vector<3x128xf32>, vector<2048x128xf32> -> vector<2048x128xf32>
    %get3A_305 = arith.constant 8 : index
    %get3A_306 = arith.constant 0 : index
    %get3A_307 = arith.constant 0 : index
    %get3A_308 = vector.load %arg3[%get3A_305, %get3A_306, %get3A_307] : memref<16x1x128xf32, #tpu.memory_space<vmem>>, vector<1x1x128xf32>
    %get3A_309 = vector.shape_cast %get3A_308 : vector<1x1x128xf32> to vector<1x128xf32>
    %add3A_310 = vector.broadcast %get3A_309 : vector<1x128xf32> to vector<2048x128xf32>
    %add3A_311 = arith.addf %dot_general3A_304, %add3A_310 : vector<2048x128xf32>
    %get3A_312 = arith.constant 0 : index
    %get3A_313 = arith.constant 0 : index
    %get3A_314 = vector.load %arg4[%get3A_312, %get3A_313] : memref<1x128xf32, #tpu.memory_space<vmem>>, vector<1x128xf32>
    %get3A_315 = vector.shape_cast %get3A_314 : vector<1x128xf32> to vector<128xf32>
    %broadcast_in_dim3A_316 = vector.shape_cast %get3A_315 : vector<128xf32> to vector<1x128xf32>
    %add3A_317 = vector.broadcast %broadcast_in_dim3A_316 : vector<1x128xf32> to vector<2048x128xf32>
    %add3A_318 = arith.addf %add3A_311, %add3A_317 : vector<2048x128xf32>
    %iota3A_319 = tpu.iota {dimensions = array<i32: 1>} : vector<2048x128xi32>
    %ge3A_320 = arith.constant 96 : i32
    %ge3A_321 = vector.broadcast %ge3A_320 : i32 to vector<2048x128xi32>
    %ge3A_322 = arith.cmpi sge, %iota3A_319, %ge3A_321 : vector<2048x128xi32>
    %max3A_323 = arith.constant 0.000000e+00 : f32
    %max3A_324 = vector.broadcast %max3A_323 : f32 to vector<2048x128xf32>
    %max3A_325 = arith.maximumf %add3A_318, %max3A_324 : vector<2048x128xf32>
    %select_n3A_326 = arith.select %ge3A_322, %max3A_325, %add3A_318 : vector<2048x128xi1>, vector<2048x128xf32>
    %swap3A_327 = arith.constant 8 : index
    %swap3A_328 = arith.constant 0 : index
    %swap3A_329 = arith.constant 0 : index
    %swap3A_330 = vector.load %arg5[%swap3A_327, %swap3A_328, %swap3A_329] : memref<16x2048x128xf32, #tpu.memory_space<vmem>>, vector<1x2048x128xf32>
    %swap3A_331 = vector.shape_cast %swap3A_330 : vector<1x2048x128xf32> to vector<2048x128xf32>
    %swap3A_332 = vector.shape_cast %select_n3A_326 : vector<2048x128xf32> to vector<1x2048x128xf32>
    tpu.vector_store %arg5[%swap3A_327, %swap3A_328, %swap3A_329], %swap3A_332 {strides = array<i32>} : memref<16x2048x128xf32, #tpu.memory_space<vmem>>, vector<1x2048x128xf32>,
    %get3A_333 = arith.constant 9 : index
    %get3A_334 = arith.constant 0 : index
    %get3A_335 = arith.constant 0 : index
    %get3A_336 = vector.load %arg1[%get3A_333, %get3A_334, %get3A_335] : memref<16x3x2048xf32, #tpu.memory_space<vmem>>, vector<1x3x2048xf32>
    %get3A_337 = vector.shape_cast %get3A_336 : vector<1x3x2048xf32> to vector<3x2048xf32>
    %get3A_338 = arith.constant 0 : index
    %get3A_339 = arith.constant 0 : index
    %get3A_340 = vector.load %arg2[%get3A_338, %get3A_339] : memref<3x128xf32, #tpu.memory_space<vmem>>, vector<3x128xf32>
    %dot_general3A_341 = arith.constant dense<0.000000e+00> : vector<2048x128xf32>
    %dot_general3A_342 = tpu.matmul %get3A_337, %get3A_340, %dot_general3A_341 {dimension_numbers = #tpu.dot_dimension_numbers<[0], [0], [1], [1], [0, 1, 1, 1], [], []>, transpose_lhs_hint = false} : vector<3x2048xf32>, vector<3x128xf32>, vector<2048x128xf32> -> vector<2048x128xf32>
    %get3A_343 = arith.constant 9 : index
    %get3A_344 = arith.constant 0 : index
    %get3A_345 = arith.constant 0 : index
    %get3A_346 = vector.load %arg3[%get3A_343, %get3A_344, %get3A_345] : memref<16x1x128xf32, #tpu.memory_space<vmem>>, vector<1x1x128xf32>
    %get3A_347 = vector.shape_cast %get3A_346 : vector<1x1x128xf32> to vector<1x128xf32>
    %add3A_348 = vector.broadcast %get3A_347 : vector<1x128xf32> to vector<2048x128xf32>
    %add3A_349 = arith.addf %dot_general3A_342, %add3A_348 : vector<2048x128xf32>
    %get3A_350 = arith.constant 0 : index
    %get3A_351 = arith.constant 0 : index
    %get3A_352 = vector.load %arg4[%get3A_350, %get3A_351] : memref<1x128xf32, #tpu.memory_space<vmem>>, vector<1x128xf32>
    %get3A_353 = vector.shape_cast %get3A_352 : vector<1x128xf32> to vector<128xf32>
    %broadcast_in_dim3A_354 = vector.shape_cast %get3A_353 : vector<128xf32> to vector<1x128xf32>
    %add3A_355 = vector.broadcast %broadcast_in_dim3A_354 : vector<1x128xf32> to vector<2048x128xf32>
    %add3A_356 = arith.addf %add3A_349, %add3A_355 : vector<2048x128xf32>
    %iota3A_357 = tpu.iota {dimensions = array<i32: 1>} : vector<2048x128xi32>
    %ge3A_358 = arith.constant 96 : i32
    %ge3A_359 = vector.broadcast %ge3A_358 : i32 to vector<2048x128xi32>
    %ge3A_360 = arith.cmpi sge, %iota3A_357, %ge3A_359 : vector<2048x128xi32>
    %max3A_361 = arith.constant 0.000000e+00 : f32
    %max3A_362 = vector.broadcast %max3A_361 : f32 to vector<2048x128xf32>
    %max3A_363 = arith.maximumf %add3A_356, %max3A_362 : vector<2048x128xf32>
    %select_n3A_364 = arith.select %ge3A_360, %max3A_363, %add3A_356 : vector<2048x128xi1>, vector<2048x128xf32>
    %swap3A_365 = arith.constant 9 : index
    %swap3A_366 = arith.constant 0 : index
    %swap3A_367 = arith.constant 0 : index
    %swap3A_368 = vector.load %arg5[%swap3A_365, %swap3A_366, %swap3A_367] : memref<16x2048x128xf32, #tpu.memory_space<vmem>>, vector<1x2048x128xf32>
    %swap3A_369 = vector.shape_cast %swap3A_368 : vector<1x2048x128xf32> to vector<2048x128xf32>
    %swap3A_370 = vector.shape_cast %select_n3A_364 : vector<2048x128xf32> to vector<1x2048x128xf32>
    tpu.vector_store %arg5[%swap3A_365, %swap3A_366, %swap3A_367], %swap3A_370 {strides = array<i32>} : memref<16x2048x128xf32, #tpu.memory_space<vmem>>, vector<1x2048x128xf32>,
    %get3A_371 = arith.constant 10 : index
    %get3A_372 = arith.constant 0 : index
    %get3A_373 = arith.constant 0 : index
    %get3A_374 = vector.load %arg1[%get3A_371, %get3A_372, %get3A_373] : memref<16x3x2048xf32, #tpu.memory_space<vmem>>, vector<1x3x2048xf32>
    %get3A_375 = vector.shape_cast %get3A_374 : vector<1x3x2048xf32> to vector<3x2048xf32>
    %get3A_376 = arith.constant 0 : index
    %get3A_377 = arith.constant 0 : index
    %get3A_378 = vector.load %arg2[%get3A_376, %get3A_377] : memref<3x128xf32, #tpu.memory_space<vmem>>, vector<3x128xf32>
    %dot_general3A_379 = arith.constant dense<0.000000e+00> : vector<2048x128xf32>
    %dot_general3A_380 = tpu.matmul %get3A_375, %get3A_378, %dot_general3A_379 {dimension_numbers = #tpu.dot_dimension_numbers<[0], [0], [1], [1], [0, 1, 1, 1], [], []>, transpose_lhs_hint = false} : vector<3x2048xf32>, vector<3x128xf32>, vector<2048x128xf32> -> vector<2048x128xf32>
    %get3A_381 = arith.constant 10 : index
    %get3A_382 = arith.constant 0 : index
    %get3A_383 = arith.constant 0 : index
    %get3A_384 = vector.load %arg3[%get3A_381, %get3A_382, %get3A_383] : memref<16x1x128xf32, #tpu.memory_space<vmem>>, vector<1x1x128xf32>
    %get3A_385 = vector.shape_cast %get3A_384 : vector<1x1x128xf32> to vector<1x128xf32>
    %add3A_386 = vector.broadcast %get3A_385 : vector<1x128xf32> to vector<2048x128xf32>
    %add3A_387 = arith.addf %dot_general3A_380, %add3A_386 : vector<2048x128xf32>
    %get3A_388 = arith.constant 0 : index
    %get3A_389 = arith.constant 0 : index
    %get3A_390 = vector.load %arg4[%get3A_388, %get3A_389] : memref<1x128xf32, #tpu.memory_space<vmem>>, vector<1x128xf32>
    %get3A_391 = vector.shape_cast %get3A_390 : vector<1x128xf32> to vector<128xf32>
    %broadcast_in_dim3A_392 = vector.shape_cast %get3A_391 : vector<128xf32> to vector<1x128xf32>
    %add3A_393 = vector.broadcast %broadcast_in_dim3A_392 : vector<1x128xf32> to vector<2048x128xf32>
    %add3A_394 = arith.addf %add3A_387, %add3A_393 : vector<2048x128xf32>
    %iota3A_395 = tpu.iota {dimensions = array<i32: 1>} : vector<2048x128xi32>
    %ge3A_396 = arith.constant 96 : i32
    %ge3A_397 = vector.broadcast %ge3A_396 : i32 to vector<2048x128xi32>
    %ge3A_398 = arith.cmpi sge, %iota3A_395, %ge3A_397 : vector<2048x128xi32>
    %max3A_399 = arith.constant 0.000000e+00 : f32
    %max3A_400 = vector.broadcast %max3A_399 : f32 to vector<2048x128xf32>
    %max3A_401 = arith.maximumf %add3A_394, %max3A_400 : vector<2048x128xf32>
    %select_n3A_402 = arith.select %ge3A_398, %max3A_401, %add3A_394 : vector<2048x128xi1>, vector<2048x128xf32>
    %swap3A_403 = arith.constant 10 : index
    %swap3A_404 = arith.constant 0 : index
    %swap3A_405 = arith.constant 0 : index
    %swap3A_406 = vector.load %arg5[%swap3A_403, %swap3A_404, %swap3A_405] : memref<16x2048x128xf32, #tpu.memory_space<vmem>>, vector<1x2048x128xf32>
    %swap3A_407 = vector.shape_cast %swap3A_406 : vector<1x2048x128xf32> to vector<2048x128xf32>
    %swap3A_408 = vector.shape_cast %select_n3A_402 : vector<2048x128xf32> to vector<1x2048x128xf32>
    tpu.vector_store %arg5[%swap3A_403, %swap3A_404, %swap3A_405], %swap3A_408 {strides = array<i32>} : memref<16x2048x128xf32, #tpu.memory_space<vmem>>, vector<1x2048x128xf32>,
    %get3A_409 = arith.constant 11 : index
    %get3A_410 = arith.constant 0 : index
    %get3A_411 = arith.constant 0 : index
    %get3A_412 = vector.load %arg1[%get3A_409, %get3A_410, %get3A_411] : memref<16x3x2048xf32, #tpu.memory_space<vmem>>, vector<1x3x2048xf32>
    %get3A_413 = vector.shape_cast %get3A_412 : vector<1x3x2048xf32> to vector<3x2048xf32>
    %get3A_414 = arith.constant 0 : index
    %get3A_415 = arith.constant 0 : index
    %get3A_416 = vector.load %arg2[%get3A_414, %get3A_415] : memref<3x128xf32, #tpu.memory_space<vmem>>, vector<3x128xf32>
    %dot_general3A_417 = arith.constant dense<0.000000e+00> : vector<2048x128xf32>
    %dot_general3A_418 = tpu.matmul %get3A_413, %get3A_416, %dot_general3A_417 {dimension_numbers = #tpu.dot_dimension_numbers<[0], [0], [1], [1], [0, 1, 1, 1], [], []>, transpose_lhs_hint = false} : vector<3x2048xf32>, vector<3x128xf32>, vector<2048x128xf32> -> vector<2048x128xf32>
    %get3A_419 = arith.constant 11 : index
    %get3A_420 = arith.constant 0 : index
    %get3A_421 = arith.constant 0 : index
    %get3A_422 = vector.load %arg3[%get3A_419, %get3A_420, %get3A_421] : memref<16x1x128xf32, #tpu.memory_space<vmem>>, vector<1x1x128xf32>
    %get3A_423 = vector.shape_cast %get3A_422 : vector<1x1x128xf32> to vector<1x128xf32>
    %add3A_424 = vector.broadcast %get3A_423 : vector<1x128xf32> to vector<2048x128xf32>
    %add3A_425 = arith.addf %dot_general3A_418, %add3A_424 : vector<2048x128xf32>
    %get3A_426 = arith.constant 0 : index
    %get3A_427 = arith.constant 0 : index
    %get3A_428 = vector.load %arg4[%get3A_426, %get3A_427] : memref<1x128xf32, #tpu.memory_space<vmem>>, vector<1x128xf32>
    %get3A_429 = vector.shape_cast %get3A_428 : vector<1x128xf32> to vector<128xf32>
    %broadcast_in_dim3A_430 = vector.shape_cast %get3A_429 : vector<128xf32> to vector<1x128xf32>
    %add3A_431 = vector.broadcast %broadcast_in_dim3A_430 : vector<1x128xf32> to vector<2048x128xf32>
    %add3A_432 = arith.addf %add3A_425, %add3A_431 : vector<2048x128xf32>
    %iota3A_433 = tpu.iota {dimensions = array<i32: 1>} : vector<2048x128xi32>
    %ge3A_434 = arith.constant 96 : i32
    %ge3A_435 = vector.broadcast %ge3A_434 : i32 to vector<2048x128xi32>
    %ge3A_436 = arith.cmpi sge, %iota3A_433, %ge3A_435 : vector<2048x128xi32>
    %max3A_437 = arith.constant 0.000000e+00 : f32
    %max3A_438 = vector.broadcast %max3A_437 : f32 to vector<2048x128xf32>
    %max3A_439 = arith.maximumf %add3A_432, %max3A_438 : vector<2048x128xf32>
    %select_n3A_440 = arith.select %ge3A_436, %max3A_439, %add3A_432 : vector<2048x128xi1>, vector<2048x128xf32>
    %swap3A_441 = arith.constant 11 : index
    %swap3A_442 = arith.constant 0 : index
    %swap3A_443 = arith.constant 0 : index
    %swap3A_444 = vector.load %arg5[%swap3A_441, %swap3A_442, %swap3A_443] : memref<16x2048x128xf32, #tpu.memory_space<vmem>>, vector<1x2048x128xf32>
    %swap3A_445 = vector.shape_cast %swap3A_444 : vector<1x2048x128xf32> to vector<2048x128xf32>
    %swap3A_446 = vector.shape_cast %select_n3A_440 : vector<2048x128xf32> to vector<1x2048x128xf32>
    tpu.vector_store %arg5[%swap3A_441, %swap3A_442, %swap3A_443], %swap3A_446 {strides = array<i32>} : memref<16x2048x128xf32, #tpu.memory_space<vmem>>, vector<1x2048x128xf32>,
    %get3A_447 = arith.constant 12 : index
    %get3A_448 = arith.constant 0 : index
    %get3A_449 = arith.constant 0 : index
    %get3A_450 = vector.load %arg1[%get3A_447, %get3A_448, %get3A_449] : memref<16x3x2048xf32, #tpu.memory_space<vmem>>, vector<1x3x2048xf32>
    %get3A_451 = vector.shape_cast %get3A_450 : vector<1x3x2048xf32> to vector<3x2048xf32>
    %get3A_452 = arith.constant 0 : index
    %get3A_453 = arith.constant 0 : index
    %get3A_454 = vector.load %arg2[%get3A_452, %get3A_453] : memref<3x128xf32, #tpu.memory_space<vmem>>, vector<3x128xf32>
    %dot_general3A_455 = arith.constant dense<0.000000e+00> : vector<2048x128xf32>
    %dot_general3A_456 = tpu.matmul %get3A_451, %get3A_454, %dot_general3A_455 {dimension_numbers = #tpu.dot_dimension_numbers<[0], [0], [1], [1], [0, 1, 1, 1], [], []>, transpose_lhs_hint = false} : vector<3x2048xf32>, vector<3x128xf32>, vector<2048x128xf32> -> vector<2048x128xf32>
    %get3A_457 = arith.constant 12 : index
    %get3A_458 = arith.constant 0 : index
    %get3A_459 = arith.constant 0 : index
    %get3A_460 = vector.load %arg3[%get3A_457, %get3A_458, %get3A_459] : memref<16x1x128xf32, #tpu.memory_space<vmem>>, vector<1x1x128xf32>
    %get3A_461 = vector.shape_cast %get3A_460 : vector<1x1x128xf32> to vector<1x128xf32>
    %add3A_462 = vector.broadcast %get3A_461 : vector<1x128xf32> to vector<2048x128xf32>
    %add3A_463 = arith.addf %dot_general3A_456, %add3A_462 : vector<2048x128xf32>
    %get3A_464 = arith.constant 0 : index
    %get3A_465 = arith.constant 0 : index
    %get3A_466 = vector.load %arg4[%get3A_464, %get3A_465] : memref<1x128xf32, #tpu.memory_space<vmem>>, vector<1x128xf32>
    %get3A_467 = vector.shape_cast %get3A_466 : vector<1x128xf32> to vector<128xf32>
    %broadcast_in_dim3A_468 = vector.shape_cast %get3A_467 : vector<128xf32> to vector<1x128xf32>
    %add3A_469 = vector.broadcast %broadcast_in_dim3A_468 : vector<1x128xf32> to vector<2048x128xf32>
    %add3A_470 = arith.addf %add3A_463, %add3A_469 : vector<2048x128xf32>
    %iota3A_471 = tpu.iota {dimensions = array<i32: 1>} : vector<2048x128xi32>
    %ge3A_472 = arith.constant 96 : i32
    %ge3A_473 = vector.broadcast %ge3A_472 : i32 to vector<2048x128xi32>
    %ge3A_474 = arith.cmpi sge, %iota3A_471, %ge3A_473 : vector<2048x128xi32>
    %max3A_475 = arith.constant 0.000000e+00 : f32
    %max3A_476 = vector.broadcast %max3A_475 : f32 to vector<2048x128xf32>
    %max3A_477 = arith.maximumf %add3A_470, %max3A_476 : vector<2048x128xf32>
    %select_n3A_478 = arith.select %ge3A_474, %max3A_477, %add3A_470 : vector<2048x128xi1>, vector<2048x128xf32>
    %swap3A_479 = arith.constant 12 : index
    %swap3A_480 = arith.constant 0 : index
    %swap3A_481 = arith.constant 0 : index
    %swap3A_482 = vector.load %arg5[%swap3A_479, %swap3A_480, %swap3A_481] : memref<16x2048x128xf32, #tpu.memory_space<vmem>>, vector<1x2048x128xf32>
    %swap3A_483 = vector.shape_cast %swap3A_482 : vector<1x2048x128xf32> to vector<2048x128xf32>
    %swap3A_484 = vector.shape_cast %select_n3A_478 : vector<2048x128xf32> to vector<1x2048x128xf32>
    tpu.vector_store %arg5[%swap3A_479, %swap3A_480, %swap3A_481], %swap3A_484 {strides = array<i32>} : memref<16x2048x128xf32, #tpu.memory_space<vmem>>, vector<1x2048x128xf32>,
    %get3A_485 = arith.constant 13 : index
    %get3A_486 = arith.constant 0 : index
    %get3A_487 = arith.constant 0 : index
    %get3A_488 = vector.load %arg1[%get3A_485, %get3A_486, %get3A_487] : memref<16x3x2048xf32, #tpu.memory_space<vmem>>, vector<1x3x2048xf32>
    %get3A_489 = vector.shape_cast %get3A_488 : vector<1x3x2048xf32> to vector<3x2048xf32>
    %get3A_490 = arith.constant 0 : index
    %get3A_491 = arith.constant 0 : index
    %get3A_492 = vector.load %arg2[%get3A_490, %get3A_491] : memref<3x128xf32, #tpu.memory_space<vmem>>, vector<3x128xf32>
    %dot_general3A_493 = arith.constant dense<0.000000e+00> : vector<2048x128xf32>
    %dot_general3A_494 = tpu.matmul %get3A_489, %get3A_492, %dot_general3A_493 {dimension_numbers = #tpu.dot_dimension_numbers<[0], [0], [1], [1], [0, 1, 1, 1], [], []>, transpose_lhs_hint = false} : vector<3x2048xf32>, vector<3x128xf32>, vector<2048x128xf32> -> vector<2048x128xf32>
    %get3A_495 = arith.constant 13 : index
    %get3A_496 = arith.constant 0 : index
    %get3A_497 = arith.constant 0 : index
    %get3A_498 = vector.load %arg3[%get3A_495, %get3A_496, %get3A_497] : memref<16x1x128xf32, #tpu.memory_space<vmem>>, vector<1x1x128xf32>
    %get3A_499 = vector.shape_cast %get3A_498 : vector<1x1x128xf32> to vector<1x128xf32>
    %add3A_500 = vector.broadcast %get3A_499 : vector<1x128xf32> to vector<2048x128xf32>
    %add3A_501 = arith.addf %dot_general3A_494, %add3A_500 : vector<2048x128xf32>
    %get3A_502 = arith.constant 0 : index
    %get3A_503 = arith.constant 0 : index
    %get3A_504 = vector.load %arg4[%get3A_502, %get3A_503] : memref<1x128xf32, #tpu.memory_space<vmem>>, vector<1x128xf32>
    %get3A_505 = vector.shape_cast %get3A_504 : vector<1x128xf32> to vector<128xf32>
    %broadcast_in_dim3A_506 = vector.shape_cast %get3A_505 : vector<128xf32> to vector<1x128xf32>
    %add3A_507 = vector.broadcast %broadcast_in_dim3A_506 : vector<1x128xf32> to vector<2048x128xf32>
    %add3A_508 = arith.addf %add3A_501, %add3A_507 : vector<2048x128xf32>
    %iota3A_509 = tpu.iota {dimensions = array<i32: 1>} : vector<2048x128xi32>
    %ge3A_510 = arith.constant 96 : i32
    %ge3A_511 = vector.broadcast %ge3A_510 : i32 to vector<2048x128xi32>
    %ge3A_512 = arith.cmpi sge, %iota3A_509, %ge3A_511 : vector<2048x128xi32>
    %max3A_513 = arith.constant 0.000000e+00 : f32
    %max3A_514 = vector.broadcast %max3A_513 : f32 to vector<2048x128xf32>
    %max3A_515 = arith.maximumf %add3A_508, %max3A_514 : vector<2048x128xf32>
    %select_n3A_516 = arith.select %ge3A_512, %max3A_515, %add3A_508 : vector<2048x128xi1>, vector<2048x128xf32>
    %swap3A_517 = arith.constant 13 : index
    %swap3A_518 = arith.constant 0 : index
    %swap3A_519 = arith.constant 0 : index
    %swap3A_520 = vector.load %arg5[%swap3A_517, %swap3A_518, %swap3A_519] : memref<16x2048x128xf32, #tpu.memory_space<vmem>>, vector<1x2048x128xf32>
    %swap3A_521 = vector.shape_cast %swap3A_520 : vector<1x2048x128xf32> to vector<2048x128xf32>
    %swap3A_522 = vector.shape_cast %select_n3A_516 : vector<2048x128xf32> to vector<1x2048x128xf32>
    tpu.vector_store %arg5[%swap3A_517, %swap3A_518, %swap3A_519], %swap3A_522 {strides = array<i32>} : memref<16x2048x128xf32, #tpu.memory_space<vmem>>, vector<1x2048x128xf32>,
    %get3A_523 = arith.constant 14 : index
    %get3A_524 = arith.constant 0 : index
    %get3A_525 = arith.constant 0 : index
    %get3A_526 = vector.load %arg1[%get3A_523, %get3A_524, %get3A_525] : memref<16x3x2048xf32, #tpu.memory_space<vmem>>, vector<1x3x2048xf32>
    %get3A_527 = vector.shape_cast %get3A_526 : vector<1x3x2048xf32> to vector<3x2048xf32>
    %get3A_528 = arith.constant 0 : index
    %get3A_529 = arith.constant 0 : index
    %get3A_530 = vector.load %arg2[%get3A_528, %get3A_529] : memref<3x128xf32, #tpu.memory_space<vmem>>, vector<3x128xf32>
    %dot_general3A_531 = arith.constant dense<0.000000e+00> : vector<2048x128xf32>
    %dot_general3A_532 = tpu.matmul %get3A_527, %get3A_530, %dot_general3A_531 {dimension_numbers = #tpu.dot_dimension_numbers<[0], [0], [1], [1], [0, 1, 1, 1], [], []>, transpose_lhs_hint = false} : vector<3x2048xf32>, vector<3x128xf32>, vector<2048x128xf32> -> vector<2048x128xf32>
    %get3A_533 = arith.constant 14 : index
    %get3A_534 = arith.constant 0 : index
    %get3A_535 = arith.constant 0 : index
    %get3A_536 = vector.load %arg3[%get3A_533, %get3A_534, %get3A_535] : memref<16x1x128xf32, #tpu.memory_space<vmem>>, vector<1x1x128xf32>
    %get3A_537 = vector.shape_cast %get3A_536 : vector<1x1x128xf32> to vector<1x128xf32>
    %add3A_538 = vector.broadcast %get3A_537 : vector<1x128xf32> to vector<2048x128xf32>
    %add3A_539 = arith.addf %dot_general3A_532, %add3A_538 : vector<2048x128xf32>
    %get3A_540 = arith.constant 0 : index
    %get3A_541 = arith.constant 0 : index
    %get3A_542 = vector.load %arg4[%get3A_540, %get3A_541] : memref<1x128xf32, #tpu.memory_space<vmem>>, vector<1x128xf32>
    %get3A_543 = vector.shape_cast %get3A_542 : vector<1x128xf32> to vector<128xf32>
    %broadcast_in_dim3A_544 = vector.shape_cast %get3A_543 : vector<128xf32> to vector<1x128xf32>
    %add3A_545 = vector.broadcast %broadcast_in_dim3A_544 : vector<1x128xf32> to vector<2048x128xf32>
    %add3A_546 = arith.addf %add3A_539, %add3A_545 : vector<2048x128xf32>
    %iota3A_547 = tpu.iota {dimensions = array<i32: 1>} : vector<2048x128xi32>
    %ge3A_548 = arith.constant 96 : i32
    %ge3A_549 = vector.broadcast %ge3A_548 : i32 to vector<2048x128xi32>
    %ge3A_550 = arith.cmpi sge, %iota3A_547, %ge3A_549 : vector<2048x128xi32>
    %max3A_551 = arith.constant 0.000000e+00 : f32
    %max3A_552 = vector.broadcast %max3A_551 : f32 to vector<2048x128xf32>
    %max3A_553 = arith.maximumf %add3A_546, %max3A_552 : vector<2048x128xf32>
    %select_n3A_554 = arith.select %ge3A_550, %max3A_553, %add3A_546 : vector<2048x128xi1>, vector<2048x128xf32>
    %swap3A_555 = arith.constant 14 : index
    %swap3A_556 = arith.constant 0 : index
    %swap3A_557 = arith.constant 0 : index
    %swap3A_558 = vector.load %arg5[%swap3A_555, %swap3A_556, %swap3A_557] : memref<16x2048x128xf32, #tpu.memory_space<vmem>>, vector<1x2048x128xf32>
    %swap3A_559 = vector.shape_cast %swap3A_558 : vector<1x2048x128xf32> to vector<2048x128xf32>
    %swap3A_560 = vector.shape_cast %select_n3A_554 : vector<2048x128xf32> to vector<1x2048x128xf32>
    tpu.vector_store %arg5[%swap3A_555, %swap3A_556, %swap3A_557], %swap3A_560 {strides = array<i32>} : memref<16x2048x128xf32, #tpu.memory_space<vmem>>, vector<1x2048x128xf32>,
    %get3A_561 = arith.constant 15 : index
    %get3A_562 = arith.constant 0 : index
    %get3A_563 = arith.constant 0 : index
    %get3A_564 = vector.load %arg1[%get3A_561, %get3A_562, %get3A_563] : memref<16x3x2048xf32, #tpu.memory_space<vmem>>, vector<1x3x2048xf32>
    %get3A_565 = vector.shape_cast %get3A_564 : vector<1x3x2048xf32> to vector<3x2048xf32>
    %get3A_566 = arith.constant 0 : index
    %get3A_567 = arith.constant 0 : index
    %get3A_568 = vector.load %arg2[%get3A_566, %get3A_567] : memref<3x128xf32, #tpu.memory_space<vmem>>, vector<3x128xf32>
    %dot_general3A_569 = arith.constant dense<0.000000e+00> : vector<2048x128xf32>
    %dot_general3A_570 = tpu.matmul %get3A_565, %get3A_568, %dot_general3A_569 {dimension_numbers = #tpu.dot_dimension_numbers<[0], [0], [1], [1], [0, 1, 1, 1], [], []>, transpose_lhs_hint = false} : vector<3x2048xf32>, vector<3x128xf32>, vector<2048x128xf32> -> vector<2048x128xf32>
    %get3A_571 = arith.constant 15 : index
    %get3A_572 = arith.constant 0 : index
    %get3A_573 = arith.constant 0 : index
    %get3A_574 = vector.load %arg3[%get3A_571, %get3A_572, %get3A_573] : memref<16x1x128xf32, #tpu.memory_space<vmem>>, vector<1x1x128xf32>
    %get3A_575 = vector.shape_cast %get3A_574 : vector<1x1x128xf32> to vector<1x128xf32>
    %add3A_576 = vector.broadcast %get3A_575 : vector<1x128xf32> to vector<2048x128xf32>
    %add3A_577 = arith.addf %dot_general3A_570, %add3A_576 : vector<2048x128xf32>
    %get3A_578 = arith.constant 0 : index
    %get3A_579 = arith.constant 0 : index
    %get3A_580 = vector.load %arg4[%get3A_578, %get3A_579] : memref<1x128xf32, #tpu.memory_space<vmem>>, vector<1x128xf32>
    %get3A_581 = vector.shape_cast %get3A_580 : vector<1x128xf32> to vector<128xf32>
    %broadcast_in_dim3A_582 = vector.shape_cast %get3A_581 : vector<128xf32> to vector<1x128xf32>
    %add3A_583 = vector.broadcast %broadcast_in_dim3A_582 : vector<1x128xf32> to vector<2048x128xf32>
    %add3A_584 = arith.addf %add3A_577, %add3A_583 : vector<2048x128xf32>
    %iota3A_585 = tpu.iota {dimensions = array<i32: 1>} : vector<2048x128xi32>
    %ge3A_586 = arith.constant 96 : i32
    %ge3A_587 = vector.broadcast %ge3A_586 : i32 to vector<2048x128xi32>
    %ge3A_588 = arith.cmpi sge, %iota3A_585, %ge3A_587 : vector<2048x128xi32>
    %max3A_589 = arith.constant 0.000000e+00 : f32
    %max3A_590 = vector.broadcast %max3A_589 : f32 to vector<2048x128xf32>
    %max3A_591 = arith.maximumf %add3A_584, %max3A_590 : vector<2048x128xf32>
    %select_n3A_592 = arith.select %ge3A_588, %max3A_591, %add3A_584 : vector<2048x128xi1>, vector<2048x128xf32>
    %swap3A_593 = arith.constant 15 : index
    %swap3A_594 = arith.constant 0 : index
    %swap3A_595 = arith.constant 0 : index
    %swap3A_596 = vector.load %arg5[%swap3A_593, %swap3A_594, %swap3A_595] : memref<16x2048x128xf32, #tpu.memory_space<vmem>>, vector<1x2048x128xf32>
    %swap3A_597 = vector.shape_cast %swap3A_596 : vector<1x2048x128xf32> to vector<2048x128xf32>
    %swap3A_598 = vector.shape_cast %select_n3A_592 : vector<2048x128xf32> to vector<1x2048x128xf32>
    tpu.vector_store %arg5[%swap3A_593, %swap3A_594, %swap3A_595], %swap3A_598 {strides = array<i32>} : memref<16x2048x128xf32, #tpu.memory_space<vmem>>, vector<1x2048x128xf32>,
    return
  }
  func.func @transform_0(%arg0: i32) -> (i32, i32, i32) {
    %c0_i32 = arith.constant 0 : i32
    %c0_i32_0 = arith.constant 0 : i32
    %c0_i32_1 = arith.constant 0 : i32
    return %arg0, %c0_i32, %c0_i32_0 : i32, i32, i32
  }
  func.func @transform_1(%arg0: i32) -> (i32, i32) {
    %c0_i32 = arith.constant 0 : i32
    %c0_i32_0 = arith.constant 0 : i32
    %c0_i32_1 = arith.constant 0 : i32
    return %c0_i32, %c0_i32_0 : i32, i32
  }
  func.func @transform_2(%arg0: i32) -> (i32, i32, i32) {
    %c0_i32 = arith.constant 0 : i32
    %c0_i32_0 = arith.constant 0 : i32
    %c0_i32_1 = arith.constant 0 : i32
    return %arg0, %c0_i32, %c0_i32_0 : i32, i32, i32
  }
  func.func @transform_3(%arg0: i32) -> (i32, i32) {
    %c0_i32 = arith.constant 0 : i32
    %c0_i32_0 = arith.constant 0 : i32
    %c0_i32_1 = arith.constant 0 : i32
    return %c0_i32, %c0_i32_0 : i32, i32
  }
  func.func @transform_4(%arg0: i32) -> (i32, i32, i32) {
    %c0_i32 = arith.constant 0 : i32
    %c0_i32_0 = arith.constant 0 : i32
    %c0_i32_1 = arith.constant 0 : i32
    return %arg0, %c0_i32, %c0_i32_0 : i32, i32, i32
  }
}

</mosaic_0001>

<sc_bundles>
// kernel: kernel.4.cloned.1.call-start
scs
__scs_entry_jumppad:
0x0: {  	(pc) =	sbr.rel $0x88, $3  }
0x1: {  	(tag) =	ssettag $0x0;
	lr =	simm.s32 $0x1  }
0x2: {  	[smem:$0x3F98] =	sst lr;
	_ =	strace $0xD0000000  }
0x3: {  	_ = 	snop  }
0x4: {  	_ = 	snop  }
0x5: {  	_ = 	snop  }
0x6: {  	_ = 	snop  }
0x7: {  	_ = 	snop  }
__scs_overlays_trampoline_lowered:
0x8: {  	[smem:$0x3FA7] =	sst s0  }
0x9: {  	[smem:$0x3FA8] =	sst s1  }
0xa: {  	[smem:$0x3FA9] =	sst s2  }
0xb: {  	[smem:$0x3FAA] =	sst s3  }
0xc: {  	[smem:$0x3FAB] =	sst s4  }
0xd: {  	[smem:$0x3FAC] =	sst s5  }
0xe: {  	[smem:$0x3FAD] =	sst s6  }
0xf: {  	[smem:$0x3FAE] =	sst s7  }
0x10: {  	[smem:$0x3FAF] =	sst s8  }
0x11: {  	[smem:$0x3FB0] =	sst s9;
	s0 =	simm.s32 @!p0 $0x0  }
0x12: {  	s1 =	sld [smem:$0x3F96];
	s0 =	simm.s32 @p0 $0x1  }
0x13: {  	[smem:$0x3FB1] =	sst s0;
	s0 =	simm.s32 @!p1 $0x0  }
0x14: {  	s2 =	sld [smem:$0x3F95];
	s0 =	simm.s32 @p1 $0x1  }
0x15: {  	[smem:$0x3FB2] =	sst s0;
	s0 =	simm.s32 @!p2 $0x0  }
0x16: {  	s3 =	sld [smem:$0x3FDB];
	s0 =	simm.s32 @p2 $0x1  }
0x17: {  	s4 =	simm.s32 $0x1BF5;
	[smem:$0x3FB4] =	sst s0  }
0x18: {  	s0 =	sld [smem:$0x3F97];
	_ =	swait.ge [sflag:s4], $0x0  }
0x19: {  	s7 =	sld [smem:$0x3F98]  }
0x1a: {  	s8 =	sadd.s32 $0xFFFFE003, lr  }
0x1b: {  	s9 =	sadd.s32 $0xFFFFFEF7, lr;
	s5 =	simm.s32 $0xFFFFFFFF;
	p2 =	slt.u32 s8, $0xFFFFF086  }
0x1c: {  	p1 =	slt.u32 s9, $0xF7A;
	s5 =	simm.s32 @!p2 $0x0  }
0x1d: {  	s5 =	simm.s32 @p1 $0x1;
	p0 =	seq.s32 s7, s2  }
0x1e: {  	s7 =	smul.u32 @!p0 $0xF7A, s2;
	p2 =	seq.s32 @!p0 s5, $0x0  }
0x1f: {  	s9 =	smul.u32 $0xF7A, s1;
	s8 =	simm.s32 @!p0 $0x1BF5;
	p2 =	por !p2, p0  }
0x20: {  	[sflag:s8] =	ssyncset.s32 @!p0 $0xFFFFF086;
	s6 =	sadd.s32 @!p0 s3, s7;
	s7 =	simm.s32 @!p0 $0x108  }
0x21: {  	s3 =	sadd.s32 s3, s9;
	s6 =	sadd.s32 @!p0 $0x88, s6;
	s7 =	simm.s32 @p2 $0x1082  }
0x22: {  	[simem:s7], [sflag:s8] =	dma.local @!p0 [hbm:s6], $0xF7A  }
0x23: {  	s9 =	sor.u32 $0xD0000000, s2;
	s6 =	simm.s32 $0x108;
	_ =	swait.ge @!p0 [sflag:s8], $0x0  }
0x24: {  	s3 =	sadd.s32 $0x88, s3;
	s6 =	simm.s32 @!p1 $0x1082;
	[sflag:s4] =	ssyncset.s32 $0xFFFFF086  }
0x25: {  	[simem:s6], [sflag:s4] =	dma.local [hbm:s3], $0xF7A  }
0x26: {  	[smem:$0x3F98] =	sst s1;
	(tag) =	ssettag s2;
	_ =	strace s9  }
0x27: {  	s1 =	sld [smem:$0x3FA8]  }
0x28: {  	s2 =	sld [smem:$0x3FA9]  }
0x29: {  	s4 =	sld [smem:$0x3FAB]  }
0x2a: {  	p0 =	seq.s32 s5, $0x0;
	s5 =	sld [smem:$0x3FAC]  }
0x2b: {  	s6 =	sld [smem:$0x3FAD]  }
0x2c: {  	s7 =	sld [smem:$0x3FAE]  }
0x2d: {  	s3 =	simm.s32 $0x108;
	s8 =	sld [smem:$0x3FAF]  }
0x2e: {  	s3 =	simm.s32 @!p0 $0x1082;
	s9 =	sld [smem:$0x3FB0]  }
0x2f: {  	lr =	sadd.s32 s0, s3;
	s0 =	sld [smem:$0x3FA7]  }
0x30: {  	s3 =	sld [smem:$0x3FAA]  }
0x31: {  	[smem:$0x3FB3] =	sst s10  }
0x32: {  	s10 =	sld [smem:$0x3FB1];
	_ =	sdelay $0x3  }
0x33: {  	p0 =	seq.s32 s10, $0x1;
	s10 =	sld [smem:$0x3FB3];
	_ =	sdelay $0x3  }
0x34: {  	[smem:$0x3FB3] =	sst s10  }
0x35: {  	s10 =	sld [smem:$0x3FB2];
	_ =	sdelay $0x3  }
0x36: {  	p1 =	seq.s32 s10, $0x1;
	s10 =	sld [smem:$0x3FB3];
	_ =	sdelay $0x3  }
0x37: {  	[smem:$0x3FB3] =	sst s10  }
0x38: {  	s10 =	sld [smem:$0x3FB4]  }
0x39: {  	_ = 	snop;
	(pc) =	sbr.ind lr, $3  }
0x3a: {  	_ = 	snop  }
0x3b: {  	_ = 	snop  }
0x3c: {  	p2 =	seq.s32 s10, $0x1;
	s10 =	sld [smem:$0x3FB3]  }
0x3d: {  	_ =	shalt  }
0x3e: {  	_ =	shalt  }
0x3f: {  	_ =	shalt  }
0x40: {  	_ =	shalt  }
0x41: {  	_ =	shalt  }
0x42: {  	_ =	shalt  }
0x43: {  	_ =	shalt  }
0x44: {  	_ =	shalt  }
0x45: {  	_ =	shalt  }
0x46: {  	_ =	shalt  }
0x47: {  	_ =	shalt  }
0x48: {  	_ =	shalt  }
0x49: {  	_ =	shalt  }
0x4a: {  	_ =	shalt  }
0x4b: {  	_ =	shalt  }
0x4c: {  	_ =	shalt  }
0x4d: {  	_ =	shalt  }
0x4e: {  	_ =	shalt  }
0x4f: {  	_ =	shalt  }
0x50: {  	_ =	shalt  }
0x51: {  	_ =	shalt  }
0x52: {  	_ =	shalt  }
0x53: {  	_ =	shalt  }
0x54: {  	_ =	shalt  }
0x55: {  	_ =	shalt  }
0x56: {  	_ =	shalt  }
0x57: {  	_ =	shalt  }
0x58: {  	_ =	shalt  }
0x59: {  	_ =	shalt  }
0x5a: {  	_ =	shalt  }
0x5b: {  	_ =	shalt  }
0x5c: {  	_ =	shalt  }
0x5d: {  	_ =	shalt  }
0x5e: {  	_ =	shalt  }
0x5f: {  	_ =	shalt  }
0x60: {  	_ =	shalt  }
0x61: {  	_ =	shalt  }
0x62: {  	_ =	shalt  }
0x63: {  	_ =	shalt  }
0x64: {  	_ =	shalt  }
0x65: {  	_ =	shalt  }
0x66: {  	_ =	shalt  }
0x67: {  	_ =	shalt  }
0x68: {  	_ =	shalt  }
0x69: {  	_ =	shalt  }
0x6a: {  	_ =	shalt  }
0x6b: {  	_ =	shalt  }
0x6c: {  	_ =	shalt  }
0x6d: {  	_ =	shalt  }
0x6e: {  	_ =	shalt  }
0x6f: {  	_ =	shalt  }
0x70: {  	_ =	shalt  }
0x71: {  	_ =	shalt  }
0x72: {  	_ =	shalt  }
0x73: {  	_ =	shalt  }
0x74: {  	_ =	shalt  }
0x75: {  	_ =	shalt  }
0x76: {  	_ =	shalt  }
0x77: {  	_ =	shalt  }
0x78: {  	_ =	shalt  }
0x79: {  	_ =	shalt  }
0x7a: {  	_ =	shalt  }
0x7b: {  	_ =	shalt  }
0x7c: {  	_ =	shalt  }
0x7d: {  	_ =	shalt  }
0x7e: {  	_ =	shalt  }
0x7f: {  	_ =	shalt  }
0x80: {  	_ =	shalt  }
0x81: {  	_ =	shalt  }
0x82: {  	_ =	shalt  }
0x83: {  	_ =	shalt  }
0x84: {  	_ =	shalt  }
0x85: {  	_ =	shalt  }
0x86: {  	_ =	shalt  }
0x87: {  	_ =	shalt  }
.Lfunc_end0:
.L_simem_size_0:
called_computation_lowered:
.L_overlay_start_0:
0x88: {  	s2 =	sld [smem:$0x3FD9]  }
0x89: {  	s3 =	sld [smem:$0x3FFE];
	_ =	sdelay $0x1  }
0x8a: {  	s1 =	srdreg.scid  }
0x8b: {  	s0 =	sand.u32 $0x1, s1  }
0x8c: {  	s17 =	sshll.u32 s0, $0xA;
	s2 =	sadd.s32 s3, s2  }
0x8d: {  	s2 =	sadd.s32 s2, s17  }
0x8e: {  	[smem:$0x3FBF] =	sst s2  }
0x8f: {  	_ = 	snop  }
0x90: {  	s2 =	sld [smem:$0x3FD0];
	(tm) =	ssettm $0x1  }
0x91: {  	s18 =	sld [smem:$0x3FFB];
	_ =	sdelay $0x3  }
0x92: {  	_ =	strace s18  }
0x93: {  	s3 =	sld [smem:$0x3FFC];
	_ =	sdelay $0x3  }
0x94: {  	_ =	strace s3  }
0x95: {  	s3 =	sld [smem:$0x3FFD];
	_ =	sdelay $0x3  }
0x96: {  	_ =	strace s3  }
0x97: {  	_ =	strace $0x8FFFFFFF  }
0x98: {  	s19 =	sld [smem:$0x3FDB];
	_ =	sdelay $0x1  }
0x99: {  	s4 =	simm.s32 $_scs_section_size  }
0x9a: {  	s5 =	simm.s32 $_size__tile_overlayer_lowered;
	s6 =	simm.s32 $_tile_overlayer_lowered  }
0x9b: {  	s22 =	simm.s32 $0x1BFF;
	s21 =	sshll.u32 s6, $0x1;
	s3 =	sadd.s32 s4, s19  }
0x9c: {  	s7 =	simm.s32 $0x0;
	s20 =	sshll.u32 s5, $0x1;
	s5 =	sadd.s32 s21, s3  }
0x9d: {  	[timem:s7], [sflag:s22] =	dma.local [hbm:s5], s20  }
0x9e: {  	_ =	swait.ge [sflag:s22], s20  }
0x9f: {  	s4 =	ssub.s32 $0x0, s20;
	[sflag:s22] =	ssyncset.done $0x0  }
0xa0: {  	[sflag:s22] =	ssyncadd.s32 s4;
	_ =	sdelay $0x1  }
0xa1: {  	s23 =	simm.s32 $0x1B8B  }
0xa2: {  	_ =	swait.ge [sflag:s23], $0x1  }
0xa3: {  	[sflag:s23] =	ssyncset.done $0x0  }
0xa4: {  	s25 =	simm.s32 $0x1B8E;
	s24 =	sld [smem:$0x3FFE];
	[sflag:s23] =	ssyncadd.s32 $0xFFFFFFFF  }
0xa5: {  	s26 =	simm.s32 $execute0_lowered;
	[smem:$0x3FD2] =	sst s25  }
0xa6: {  	s5 =	sshll.u32 s26, $0x1;
	_ =	strace $0x80000046;
	[dreg:$0x1] =	wrdreg $0xFFFFFFFF  }
0xa7: {  	s28 =	simm.s32 $_size_execute0_lowered;
	s3 =	sadd.s32 s3, s5;
	[dreg:$0x0] =	wrdreg $0x0  }
0xa8: {  	s5 =	sshll.u32 s28, $0x1;
	[dreg:$0x2] =	wrdreg s3  }
0xa9: {  	[dreg:$0x3] =	wrdreg s5  }
0xaa: {  	[dreg:$0x4] =	wrdreg $0xC0  }
0xab: {  	_ =	task [dreg:s7], $0x5FFFF  }
0xac: {  	[dreg:$0x1] =	wrdreg $0xFFFFFFFF  }
0xad: {  	[dreg:$0x0] =	wrdreg $0x60  }
0xae: {  	[dreg:$0x2] =	wrdreg s24  }
0xaf: {  	[dreg:$0x3] =	wrdreg s2  }
0xb0: {  	[dreg:$0x4] =	wrdreg $0x9  }
0xb1: {  	_ =	task.clear_ibuf [dreg:s7], $0x5FFFF;
	_ =	strace $0x90000046  }
0xb2: {  	s29 =	simm.s32 $0x9;
	_ =	strace $0x80000048  }
0xb3: {  	_ =	swait.ge [sflag:s29], $0x1  }
0xb4: {  	[sflag:s29] =	ssyncadd.s32 $0xFFFFFFFF  }
0xb5: {  	_ =	strace $0x90000048  }
0xb6: {  	_ =	sfence  }
0xb7: {  	s30 =	sld [smem:$0x0];
	_ =	sdelay $0x2  }
0xb8: {  	s31 =	sshll.u32 s1, $0xD;
	s1 =	sshrl.u32 s1, $0x2  }
0xb9: {  	s3 =	sand.u32 $0x4000, s31;
	s1 =	sadd.s32 s1, s30  }
0xba: {  	s0 =	sor.u32 s3, s0;
	s1 =	sshll.u32 s1, $0x11  }
0xbb: {  	s0 =	sor.u32 s1, s0  }
0xbc: {  	s0 =	sadd.s32 $0x8F2B, s0  }
0xbd: {  	[sflag:s0] =	ssyncadd.remote.s32 $0x1  }
0xbe: {  	_ =	sfence.sel $0xFFFF  }
0xbf: {  	[dreg:$0x0] =	wrdreg $0xFFFFFFFF;
	(pc) =	sbr.abs _section_cstart, $3  }
0xc0: {  	[dreg:$0x1] =	wrdreg $0xFFFFFFFF  }
0xc1: {  	_ =	task.clear_ibuf [dreg:s7], $0x2FFFF;
	_ =	strace $0x9FFFFFFF  }
0xc2: {  	(tm) =	ssettm $0x7FFFFFFF  }
0xc3: {  	_ =	shalt  }
tec
execute0_lowered:
.L_overlay_start_1:
0x0: {  	(tag) =	ssettag $0x1  }
0x1: {  	s1 =	stileid.u32  }
0x2: {  	p0 =	sgt.u32 s1, $0xB  }
.Ltmp0:
0x3: {  	_ = 	snop;
	(pc) =	sbr.rel @p0 .LBB2_3-.Ltmp0, $4  }
0x4: {  	s4 =	rddreg [dreg:$0x0]  }
0x5: {  	s2 =	rddreg [dreg:$0x1];
	s3 =	simm.s32 $0x0  }
0x6: {  	[smem:$0x7FF] =	sst s3  }
0x7: {  	s0 =	rddreg [dreg:$0x2];
	_ =	strace $0x80000047  }
0x8: {  	s5 =	srdreg.scid;
	s6 =	sshll.u32 s1, $0x1  }
0x9: {  	s7 =	sadd.s32 $0xA00, s4;
	s11 =	simm.s32 $0x100;
	s12 =	simm.s32 $0x1  }
0xa: {  	s13 =	simm.s32 $0x500;
	s14 =	simm.s32 $0x2;
	s5 =	sand.u32 $0x1, s5  }
0xb: {  	s15 =	simm.s32 $0x900;
	s6 =	sor.u32 s5, s6;
	s10 =	ssub.s32 $0x2, s5  }
0xc: {  	s8 =	sshll.u32 s6, $0x7;
	s9 =	sadd.s32 s6, s7;
	s31 =	sshrl.u32 s10, $0x1  }
0xd: {  	s6 =	sadd.s32 s7, s6;
	s30 =	sadd.s32 s8, s4;
	s4 =	sadd.s32 $0x18, s9  }
0xe: {  	s8 =	ssub.s32 s10, s31;
	s9 =	simm.s32 $0x80;
	s10 =	simm.s32 $0x8  }
0xf: {  	s5 =	sadd.s32 $0xC00, s30;
	s7 =	smax.u32 s8, $0x1;
	s8 =	simm.s32 $0x3  }
.LBB2_2:
0x10: {  	[tilespmem:s3], [sflag:$0x3] =	stream.linear.gather [hbm4b:s6+s3], $0x8, $0x38;
	[tilespmem:$0xD00] =	vst v63  }
0x11: {  	_ =	swait.ge [sflag:s8], $0x8  }
0x12: {  	[sflag:s8] =	ssyncset.done $0x0  }
0x13: {  	[sflag:s8] =	ssyncadd.s32 $0xFFFFFFF8  }
0x14: {  	[tilespmem:s9], [sflag:$0x3] =	stream.linear.gather [hbm4b:s4+s3], $0x8, $0x38;
	[tilespmem:$0xD00] =	vst v63  }
0x15: {  	_ =	swait.ge [sflag:s8], $0x8  }
0x16: {  	[sflag:s8] =	ssyncset.done $0x0  }
0x17: {  	[sflag:s8] =	ssyncadd.s32 $0xFFFFFFF8  }
0x18: {  	[tilespmem:s11], [sflag:$0x1] =	stream.indirect.gather [hbm4b:s2+s10], $0x80, s3, s10, $0xb8;
	[tilespmem:$0xD00] =	vst v63  }
0x19: {  	_ =	swait.ge [sflag:s12], $0x400  }
0x1a: {  	[sflag:s12] =	ssyncset.done $0x0  }
0x1b: {  	[sflag:s12] =	ssyncadd.s32 $0xFFFFFC00  }
0x1c: {  	[tilespmem:s13], [sflag:$0x2] =	stream.indirect.gather [hbm4b:s2+s10], $0x80, s9, s10, $0xb8;
	[tilespmem:$0xD00] =	vst v63  }
0x1d: {  	_ =	swait.ge [sflag:s14], $0x400  }
0x1e: {  	[sflag:s14] =	ssyncset.done $0x0  }
0x1f: {  	[sflag:s14] =	ssyncadd.s32 $0xFFFFFC00  }
0x20: {  	v0 =	vld [tilespmem:$0x100]  }
0x21: {  	v1 =	vld [tilespmem:$0x500]  }
0x22: {  	v2 =	vld [tilespmem:$0x110]  }
0x23: {  	v3 =	vld [tilespmem:$0x510]  }
0x24: {  	v4 =	vld [tilespmem:$0x120]  }
0x25: {  	v5 =	vld [tilespmem:$0x520]  }
0x26: {  	v6 =	vld [tilespmem:$0x130]  }
0x27: {  	v7 =	vld [tilespmem:$0x530]  }
0x28: {  	v8 =	vld [tilespmem:$0x140]  }
0x29: {  	v9 =	vld [tilespmem:$0x540]  }
0x2a: {  	v10 =	vld [tilespmem:$0x150]  }
0x2b: {  	v11 =	vld [tilespmem:$0x550]  }
0x2c: {  	v12 =	vld [tilespmem:$0x160]  }
0x2d: {  	v13 =	vld [tilespmem:$0x560]  }
0x2e: {  	v14 =	vld [tilespmem:$0x170]  }
0x2f: {  	v15 =	vld [tilespmem:$0x570]  }
0x30: {  	v16 =	vld [tilespmem:$0x180]  }
0x31: {  	v17 =	vld [tilespmem:$0x580]  }
0x32: {  	v18 =	vld [tilespmem:$0x190]  }
0x33: {  	v19 =	vld [tilespmem:$0x590]  }
0x34: {  	v20 =	vld [tilespmem:$0x1A0]  }
0x35: {  	v21 =	vld [tilespmem:$0x5A0]  }
0x36: {  	v22 =	vld [tilespmem:$0x1B0]  }
0x37: {  	v23 =	vld [tilespmem:$0x5B0]  }
0x38: {  	v24 =	vld [tilespmem:$0x1C0]  }
0x39: {  	v25 =	vld [tilespmem:$0x5C0]  }
0x3a: {  	v26 =	vld [tilespmem:$0x1D0]  }
0x3b: {  	v27 =	vld [tilespmem:$0x5D0]  }
0x3c: {  	v28 =	vld [tilespmem:$0x1E0]  }
0x3d: {  	v29 =	vld [tilespmem:$0x5E0]  }
0x3e: {  	v30 =	vld [tilespmem:$0x1F0]  }
0x3f: {  	v31 =	vld [tilespmem:$0x5F0]  }
0x40: {  	v32 =	vld [tilespmem:$0x200]  }
0x41: {  	v33 =	vld [tilespmem:$0x600]  }
0x42: {  	v34 =	vld [tilespmem:$0x210]  }
0x43: {  	v35 =	vld [tilespmem:$0x610]  }
0x44: {  	v36 =	vld [tilespmem:$0x220]  }
0x45: {  	v37 =	vld [tilespmem:$0x620]  }
0x46: {  	v38 =	vld [tilespmem:$0x230]  }
0x47: {  	v39 =	vld [tilespmem:$0x630]  }
0x48: {  	v40 =	vld [tilespmem:$0x240]  }
0x49: {  	v41 =	vld [tilespmem:$0x640]  }
0x4a: {  	v42 =	vld [tilespmem:$0x250]  }
0x4b: {  	v43 =	vld [tilespmem:$0x650]  }
0x4c: {  	v44 =	vld [tilespmem:$0x260]  }
0x4d: {  	v45 =	vld [tilespmem:$0x660]  }
0x4e: {  	v46 =	vld [tilespmem:$0x270]  }
0x4f: {  	v47 =	vld [tilespmem:$0x670]  }
0x50: {  	v48 =	vld [tilespmem:$0x280]  }
0x51: {  	v49 =	vld [tilespmem:$0x680]  }
0x52: {  	v50 =	vld [tilespmem:$0x290]  }
0x53: {  	v51 =	vld [tilespmem:$0x690]  }
0x54: {  	v52 =	vld [tilespmem:$0x2A0]  }
0x55: {  	v53 =	vld [tilespmem:$0x6A0]  }
0x56: {  	v54 =	vld [tilespmem:$0x2B0]  }
0x57: {  	v55 =	vld [tilespmem:$0x6B0]  }
0x58: {  	v56 =	vld [tilespmem:$0x2C0]  }
0x59: {  	v57 =	vld [tilespmem:$0x6C0]  }
0x5a: {  	v58 =	vld [tilespmem:$0x2D0]  }
0x5b: {  	v62 =	vld [tilespmem:$0x2F0]  }
0x5c: {  	v59 =	vld [tilespmem:$0x6D0]  }
0x5d: {  	v60 =	vld [tilespmem:$0x2E0]  }
0x5e: {  	v61 =	vld [tilespmem:$0x6E0]  }
0x5f: {  	v63 =	vld [tilespmem:$0x6F0]  }
0x60: {  	[tilespmem:$0x1FFA0] =	vst v62;
	v62 =	vld [tilespmem:$0x300]  }
0x61: {  	v0 =	vadd.f32 v1, v0;
	v1 =	vld [tilespmem:$0x720]  }
0x62: {  	v2 =	vadd.f32 v3, v2;
	v3 =	vld [tilespmem:$0x330]  }
0x63: {  	v9 =	vadd.f32 v9, v8;
	v8 =	vld [tilespmem:$0x750]  }
0x64: {  	v13 =	vadd.f32 v13, v12;
	v12 =	vld [tilespmem:$0x770]  }
0x65: {  	v15 =	vadd.f32 v15, v14;
	v14 =	vld [tilespmem:$0x780]  }
0x66: {  	v17 =	vadd.f32 v17, v16;
	v16 =	vld [tilespmem:$0x790]  }
0x67: {  	v19 =	vadd.f32 v19, v18;
	v18 =	vld [tilespmem:$0x7A0]  }
0x68: {  	v23 =	vadd.f32 v23, v22;
	v22 =	vld [tilespmem:$0x7C0];
	[tilespmem:$0x900] =	vst v0  }
0x69: {  	v25 =	vadd.f32 v25, v24;
	v24 =	vld [tilespmem:$0x7D0];
	[tilespmem:$0x910] =	vst v2  }
0x6a: {  	v21 =	vadd.f32 v21, v20;
	v27 =	vadd.f32 v27, v26;
	v26 =	vld [tilespmem:$0x7E0];
	[tilespmem:$0x940] =	vst v9  }
0x6b: {  	v31 =	vadd.f32 v31, v30;
	v30 =	vadd.f32 v45, v44;
	v45 =	vld [tilespmem:$0x830];
	[tilespmem:$0x960] =	vst v13  }
0x6c: {  	v33 =	vadd.f32 v33, v32;
	v32 =	vadd.f32 v49, v48;
	v49 =	vld [tilespmem:$0x840];
	[tilespmem:$0x970] =	vst v15  }
0x6d: {  	v35 =	vadd.f32 v35, v34;
	v34 =	vadd.f32 v53, v52;
	v53 =	vld [tilespmem:$0x850];
	[tilespmem:$0x980] =	vst v17  }
0x6e: {  	v37 =	vadd.f32 v37, v36;
	v36 =	vadd.f32 v57, v56;
	v57 =	vld [tilespmem:$0x860];
	[tilespmem:$0x990] =	vst v19  }
0x6f: {  	v0 =	vadd.f32 v5, v4;
	v4 =	vld [tilespmem:$0x730];
	[tilespmem:$0x9A0] =	vst v21  }
0x70: {  	v5 =	vld [tilespmem:$0x340];
	[tilespmem:$0x9B0] =	vst v23  }
0x71: {  	v29 =	vadd.f32 v29, v28;
	v9 =	vld [tilespmem:$0x360];
	[tilespmem:$0x9C0] =	vst v25  }
0x72: {  	v13 =	vld [tilespmem:$0x380];
	[tilespmem:$0x9D0] =	vst v27  }
0x73: {  	v15 =	vld [tilespmem:$0x390];
	[tilespmem:$0x9E0] =	vst v29  }
0x74: {  	v17 =	vld [tilespmem:$0x3A0];
	[tilespmem:$0x9F0] =	vst v31  }
0x75: {  	v19 =	vld [tilespmem:$0x3B0];
	[tilespmem:$0xA00] =	vst v33  }
0x76: {  	v28 =	vadd.f32 v41, v40;
	[tilespmem:$0xA10] =	vst v35;
	v21 =	vld [tilespmem:$0x3C0]  }
0x77: {  	[tilespmem:$0xA20] =	vst v37;
	v23 =	vld [tilespmem:$0x3D0]  }
0x78: {  	[tilespmem:$0xA40] =	vst v28;
	v25 =	vld [tilespmem:$0x3E0]  }
0x79: {  	[tilespmem:$0xA60] =	vst v30;
	v28 =	vld [tilespmem:$0x7F0]  }
0x7a: {  	[tilespmem:$0xA80] =	vst v32;
	v30 =	vld [tilespmem:$0x800]  }
0x7b: {  	[tilespmem:$0xAA0] =	vst v34;
	v32 =	vld [tilespmem:$0x810]  }
0x7c: {  	v27 =	vadd.f32 v39, v38;
	[tilespmem:$0xAC0] =	vst v36;
	v39 =	vld [tilespmem:$0x1FFA0]  }
0x7d: {  	v34 =	vld [tilespmem:$0x820];
	[tilespmem:$0x920] =	vst v0  }
0x7e: {  	v29 =	vadd.f32 v43, v42;
	v31 =	vadd.f32 v47, v46;
	v47 =	vld [tilespmem:$0x440];
	[tilespmem:$0xA30] =	vst v27  }
0x7f: {  	[tilespmem:$0x1FFB0] =	vst v62;
	v62 =	vld [tilespmem:$0x700]  }
0x80: {  	v33 =	vadd.f32 v51, v50;
	v51 =	vld [tilespmem:$0x450];
	[tilespmem:$0xA50] =	vst v29  }
0x81: {  	v35 =	vadd.f32 v55, v54;
	v55 =	vld [tilespmem:$0x460];
	[tilespmem:$0xA70] =	vst v31  }
0x82: {  	v37 =	vadd.f32 v59, v58;
	v59 =	vld [tilespmem:$0x470];
	[tilespmem:$0xA90] =	vst v33  }
0x83: {  	v38 =	vadd.f32 v61, v60;
	v61 =	vld [tilespmem:$0x870];
	[tilespmem:$0xAB0] =	vst v35  }
0x84: {  	[tilespmem:$0x1FFC0] =	vst v62;
	v62 =	vld [tilespmem:$0x310]  }
0x85: {  	v27 =	vld [tilespmem:$0x3F0];
	[tilespmem:$0xAD0] =	vst v37;
	v2 =	vadd.f32 v63, v39  }
0x86: {  	v29 =	vld [tilespmem:$0x400];
	[tilespmem:$0xAE0] =	vst v38;
	v46 =	vadd.f32 v4, v3  }
0x87: {  	v31 =	vld [tilespmem:$0x410];
	[tilespmem:$0xAF0] =	vst v2  }
0x88: {  	v33 =	vld [tilespmem:$0x420];
	v56 =	vadd.f32 v14, v13;
	[tilespmem:$0xB30] =	vst v46  }
0x89: {  	v58 =	vadd.f32 v16, v15;
	[tilespmem:$0x1FFD0] =	vst v62;
	v62 =	vld [tilespmem:$0x710]  }
0x8a: {  	v35 =	vld [tilespmem:$0x430];
	v60 =	vadd.f32 v18, v17;
	[tilespmem:$0xB80] =	vst v56  }
0x8b: {  	v37 =	vld [tilespmem:$0x4A0];
	v21 =	vadd.f32 v22, v21;
	[tilespmem:$0xB90] =	vst v58  }
0x8c: {  	v40 =	vld [tilespmem:$0x1FFB0];
	[tilespmem:$0xBA0] =	vst v60  }
0x8d: {  	v23 =	vadd.f32 v24, v23;
	[tilespmem:$0xBC0] =	vst v21;
	v41 =	vld [tilespmem:$0x1FFC0]  }
0x8e: {  	v25 =	vadd.f32 v26, v25;
	[tilespmem:$0x1FFE0] =	vst v62;
	v62 =	vld [tilespmem:$0x320]  }
0x8f: {  	[tilespmem:$0xBD0] =	vst v23;
	v36 =	vadd.f32 v28, v27;
	v42 =	vld [tilespmem:$0x1FFD0]  }
0x90: {  	[tilespmem:$0xBE0] =	vst v25;
	v38 =	vadd.f32 v30, v29;
	v43 =	vld [tilespmem:$0x1FFE0]  }
0x91: {  	v63 =	vld [tilespmem:$0x480];
	[tilespmem:$0xBF0] =	vst v36  }
0x92: {  	v22 =	vld [tilespmem:$0x880];
	[tilespmem:$0xC00] =	vst v38;
	v0 =	vadd.f32 v41, v40  }
0x93: {  	v40 =	vadd.f32 v32, v31;
	[tilespmem:$0x1FFF0] =	vst v62;
	v62 =	vadd.f32 v7, v6;
	v6 =	vld [tilespmem:$0x740]  }
0x94: {  	[tilespmem:$0xB00] =	vst v0;
	v7 =	vld [tilespmem:$0x350]  }
0x95: {  	[tilespmem:$0xC10] =	vst v40;
	v2 =	vadd.f32 v43, v42;
	v44 =	vld [tilespmem:$0x1FFF0]  }
0x96: {  	v24 =	vld [tilespmem:$0x490];
	v42 =	vadd.f32 v34, v33;
	[tilespmem:$0x930] =	vst v62  }
0x97: {  	v26 =	vld [tilespmem:$0x890];
	v62 =	vadd.f32 v11, v10;
	[tilespmem:$0xB10] =	vst v2  }
0x98: {  	v39 =	vld [tilespmem:$0x8A0];
	[tilespmem:$0xC20] =	vst v42;
	v48 =	vadd.f32 v6, v5  }
0x99: {  	v46 =	vld [tilespmem:$0x8C0];
	[tilespmem:$0x950] =	vst v62;
	v50 =	vadd.f32 v8, v7  }
0x9a: {  	v56 =	vld [tilespmem:$0x4F0];
	v0 =	vadd.f32 v1, v44;
	[tilespmem:$0xB40] =	vst v48  }
0x9b: {  	v58 =	vld [tilespmem:$0x8F0];
	v1 =	vadd.f32 v45, v35;
	[tilespmem:$0xB50] =	vst v50  }
0x9c: {  	v41 =	vld [tilespmem:$0x4B0];
	v45 =	vadd.f32 v49, v47;
	[tilespmem:$0xB20] =	vst v0  }
0x9d: {  	v10 =	vld [tilespmem:$0x760];
	v47 =	vadd.f32 v53, v51;
	[tilespmem:$0xC30] =	vst v1  }
0x9e: {  	v11 =	vld [tilespmem:$0x370];
	v49 =	vadd.f32 v57, v55;
	[tilespmem:$0xC40] =	vst v45  }
0x9f: {  	v43 =	vld [tilespmem:$0x8B0];
	v51 =	vadd.f32 v61, v59;
	[tilespmem:$0xC50] =	vst v47  }
0xa0: {  	v62 =	vld [tilespmem:$0x7B0];
	v53 =	vadd.f32 v22, v63;
	[tilespmem:$0xC60] =	vst v49  }
0xa1: {  	v44 =	vld [tilespmem:$0x4C0];
	v55 =	vadd.f32 v26, v24;
	[tilespmem:$0xC70] =	vst v51  }
0xa2: {  	v52 =	vadd.f32 v10, v9;
	v48 =	vld [tilespmem:$0x4D0];
	[tilespmem:$0xC80] =	vst v53  }
0xa3: {  	v54 =	vadd.f32 v12, v11;
	v50 =	vld [tilespmem:$0x8D0];
	[tilespmem:$0xC90] =	vst v55  }
0xa4: {  	v57 =	vadd.f32 v39, v37;
	[tilespmem:$0xB60] =	vst v52;
	v52 =	vld [tilespmem:$0x4E0]  }
0xa5: {  	v59 =	vadd.f32 v43, v41;
	[tilespmem:$0xB70] =	vst v54;
	v54 =	vld [tilespmem:$0x8E0]  }
0xa6: {  	v63 =	vadd.f32 v58, v56;
	[tilespmem:$0xCA0] =	vst v57  }
0xa7: {  	[tilespmem:$0xCB0] =	vst v59;
	v62 =	vadd.f32 v62, v19  }
0xa8: {  	[tilespmem:$0xCF0] =	vst v63;
	v60 =	vadd.f32 v46, v44  }
0xa9: {  	[tilespmem:$0xBB0] =	vst v62;
	v61 =	vadd.f32 v50, v48  }
0xaa: {  	[tilespmem:$0xCC0] =	vst v60;
	v62 =	vadd.f32 v54, v52  }
0xab: {  	p0 =	sne.s32 s7, $0x1;
	[tilespmem:$0xCD0] =	vst v61  }
.Ltmp1:
0xac: {  	[tilespmem:$0xCE0] =	vst v62;
	(pc) =	sbr.rel @p0 .LBB2_2-.Ltmp1, $4  }
0xad: {  	[hbm4b:s5+s3] =	stream.linear.scatter [tilespmem:s15], [sflag:$0x3], $0x400, $0x38;
	[tilespmem:$0xD00] =	vst v63  }
0xae: {  	_ =	swait.ge [sflag:s8], $0x400  }
0xaf: {  	[sflag:s8] =	ssyncset.done $0x0  }
0xb0: {  	s7 =	sadd.s32 $0xFFFFFFFF, s7;
	[sflag:s8] =	ssyncadd.s32 $0xFFFFFC00  }
.LBB2_3:
0xb1: {  	_ =	sfence.sel $0x180000  }
0xb2: {  	[bflag:$0x0] =	sbarrier.arrive $0xFFFF  }
0xb3: {  	p0 =	sne.s32 s1, $0x0;
	_ =	strace $0x90000047  }
0xb4: {  	s0 =	sadd.s32 @!p0 $0x100000, s0;
	[bflag:$0x2] =	sbarrier.arrive $0xFFFF  }
0xb5: {  	[sflag:s0] =	ssyncadd.tile.s32 @!p0 $0x1;
	_ =	shalt  }
.Lfunc_end2:
_tile_overlayer_lowered:
.L_overlay_start_2:
0xb6: {  	(tag) =	ssettag $0x2  }
0xb7: {  	s0 =	rddreg [dreg:$0x0];
	s2 =	stileid.u32  }
0xb8: {  	s1 =	rddreg [dreg:$0x1];
	p0 =	sne.s32 s2, $0x0  }
0xb9: {  	s3 =	rddreg [dreg:$0x2];
	[bflag:$0x3] =	sbarrier.arrive $0xFFFF;
	s2 =	simm.s32 @!p0 $0x1C03  }
0xba: {  	[timem:s3], [sflag:s2] =	dma.local @!p0 [hbm:s0], s1  }
0xbb: {  	s0 =	simm.s32 @!p0 $0x3  }
0xbc: {  	_ =	swait.ge @!p0 [sflag:s0], s1  }
0xbd: {  	s1 =	ssub.s32 @!p0 $0x0, s1;
	[sflag:s0] =	ssyncset.done @!p0 $0x0  }
0xbe: {  	[sflag:s0] =	ssyncadd.s32 @!p0 s1  }
0xbf: {  	[bflag:$0x3] =	sbarrier.arrive $0xFFFF  }
0xc0: {  	_ =	shalt  }

</sc_bundles>
